<compile_context>
chip_gen: v7x
topology: tpu7x:2x2x1
jax: 0.10.2.dev20260603
libtpu: 0.0.44.dev20260713+nightly
codegen_flags: <defaults>
</compile_context>

<pallas_src>
import functools

import jax
import jax.numpy as jnp
from jax import lax
from jax.experimental import pallas as pl
from jax.experimental.pallas import tpu as pltpu
from jax.experimental.pallas import tpu_sc as plsc

POOL = 8192
LEN = 5
DIM = 768
K = 8
B = 128
S = 196
OUT_S = K * LEN + S
SEQ_BLK = 4
N_SEQ_BLK = S // SEQ_BLK
POOL_BLK = 1024
N_POOL_BLK = POOL // POOL_BLK
NEG_INF = float("-inf")
BIG_I32 = 2 ** 30


def _sum_body(x_ref, xsum_ref):
    xsum_ref[...] = jnp.sum(x_ref[...], axis=1)


def _simtopk_body(xsum_ref, pkey_ref, sim_ref, idx_ref, rsum_ref,
                  vals_s, idxs_s):
    j = pl.program_id(0)

    xm = xsum_ref[...] * (1.0 / S)
    ss = jnp.sum(xm * xm, axis=1, keepdims=True)
    x_norm = xm * jax.lax.rsqrt(jnp.maximum(ss, 1e-12))

    pk = pkey_ref[...]
    pss = jnp.sum(pk * pk, axis=1, keepdims=True)
    p_norm = pk * jax.lax.rsqrt(jnp.maximum(pss, 1e-12))

    sim = jnp.dot(x_norm, p_norm.T, preferred_element_type=jnp.float32)
    sim_ref[...] = sim

    @pl.when(j == 0)
    def _():
        vals_s[...] = jnp.full_like(vals_s, NEG_INF)
        idxs_s[...] = jnp.full_like(idxs_s, BIG_I32)

    col = j * POOL_BLK + jax.lax.broadcasted_iota(jnp.int32, (B, POOL_BLK), 1)
    cand = jnp.concatenate([vals_s[...], sim], axis=1)
    cidx = jnp.concatenate([idxs_s[...], col], axis=1)

    new_v = []
    new_i = []
    for _t in range(K):
        m = jnp.max(cand, axis=1, keepdims=True)
        a = jnp.min(jnp.where(cand == m, cidx, BIG_I32), axis=1, keepdims=True)
        new_v.append(m)
        new_i.append(a)
        cand = jnp.where(cidx == a, NEG_INF, cand)
    nv = jnp.concatenate(new_v, axis=1)
    ni = jnp.concatenate(new_i, axis=1)

    vals_s[...] = jnp.concatenate(
        [nv, jnp.full((B, 128 - K), NEG_INF, jnp.float32)], axis=1)
    idxs_s[...] = jnp.concatenate(
        [ni, jnp.full((B, 128 - K), BIG_I32, jnp.int32)], axis=1)

    @pl.when(j == N_POOL_BLK - 1)
    def _():
        idx_ref[...] = ni
        rsum_ref[...] = jnp.reshape(jnp.sum(nv) * (1.0 / B), (1, 1))


NW = 32
BPW = B // NW
GROWS = K * LEN


def _sc_assemble_body(prows_ref, x_ref, idx5_ref, out_ref,
                      idx_v, rows_v, sem):
    wid = lax.axis_index("s") * 2 + lax.axis_index("c")
    for i in range(BPW):
        b = wid * BPW + i
        pltpu.sync_copy(idx5_ref.at[b], idx_v)
        pltpu.async_copy(prows_ref.at[idx_v], rows_v, sem).wait()
        pltpu.sync_copy(rows_v, out_ref.at[b, pl.ds(0, GROWS), :])
        pltpu.sync_copy(x_ref.at[b, pl.ds(0, 192), :],
                        out_ref.at[b, pl.ds(GROWS, 192), :])
        for t in range(4):
            pltpu.sync_copy(x_ref.at[b, 192 + t, :],
                            out_ref.at[b, GROWS + 192 + t, :])


_sc_assemble = functools.partial(
    pl.kernel,
    out_type=jax.ShapeDtypeStruct((B, OUT_S, DIM), jnp.float32),
    mesh=plsc.VectorSubcoreMesh(core_axis_name="c", subcore_axis_name="s",
                                num_cores=2, num_subcores=16),
    scratch_types=[
        pltpu.VMEM((GROWS,), jnp.int32),
        pltpu.VMEM((GROWS, DIM), jnp.float32),
        pltpu.SemaphoreType.DMA,
    ],
)(_sc_assemble_body)


def kernel(x_embed, prompt, prompt_key):
    xsum = pl.pallas_call(
        _sum_body,
        grid=(B // 16,),
        in_specs=[pl.BlockSpec((16, S, DIM), lambda b: (b, 0, 0))],
        out_specs=pl.BlockSpec((16, DIM), lambda b: (b, 0)),
        out_shape=jax.ShapeDtypeStruct((B, DIM), jnp.float32),
        compiler_params=pltpu.CompilerParams(
            dimension_semantics=("arbitrary",)),
    )(x_embed)

    similarity, idx, rsum = pl.pallas_call(
        _simtopk_body,
        grid=(N_POOL_BLK,),
        in_specs=[
            pl.BlockSpec((B, DIM), lambda j: (0, 0)),
            pl.BlockSpec((POOL_BLK, DIM), lambda j: (j, 0)),
        ],
        out_specs=[
            pl.BlockSpec((B, POOL_BLK), lambda j: (0, j)),
            pl.BlockSpec((B, K), lambda j: (0, 0)),
            pl.BlockSpec((1, 1), lambda j: (0, 0)),
        ],
        out_shape=[
            jax.ShapeDtypeStruct((B, POOL), jnp.float32),
            jax.ShapeDtypeStruct((B, K), jnp.int32),
            jax.ShapeDtypeStruct((1, 1), jnp.float32),
        ],
        scratch_shapes=[
            pltpu.VMEM((B, 128), jnp.float32),
            pltpu.VMEM((B, 128), jnp.int32),
        ],
        compiler_params=pltpu.CompilerParams(
            dimension_semantics=("arbitrary",)),
    )(xsum, prompt_key)

    idx5 = (idx[:, :, None] * LEN +
            jnp.arange(LEN, dtype=jnp.int32)[None, None, :]).reshape(B, GROWS)
    prompt_rows = prompt.reshape(POOL * LEN, DIM)
    prompted = _sc_assemble(prompt_rows, x_embed, idx5)

    return (prompted, similarity, rsum[0, 0], idx)

# --- scband reference (transcript-rebuilt; emitter-appended) ---
"""Pipeline reference for scband-prompt-pool-67826123538792 (READ-ONLY COPY).

The authoritative reference and input builder live on the scoring server;
editing this copy changes nothing except your own understanding.
"""

import jax, jax.numpy as jnp
import numpy as np

POOL_SIZE = 8192
LENGTH = 5
EMBED_DIM = 768
TOP_K = 8
BATCH = 128
SEQ = 196


def l2_normalize(x, axis=None, epsilon=1e-12):
    square_sum = jnp.sum(x ** 2, axis=axis, keepdims=True)
    x_inv_norm = jax.lax.rsqrt(jnp.maximum(square_sum, epsilon))
    return x * x_inv_norm


def setup_inputs(seed: int = 0) -> dict:
    key = jax.random.key(seed)
    k1, k2, k3 = jax.random.split(key, 3)
    x_embed = jax.random.normal(k1, (BATCH, SEQ, EMBED_DIM), dtype=jnp.float32)
    # prompt_init='uniform' -> uniform(-1, 1)
    prompt = jax.random.uniform(k2, (POOL_SIZE, LENGTH, EMBED_DIM), dtype=jnp.float32, minval=-1.0, maxval=1.0)
    prompt_key = jax.random.uniform(k3, (POOL_SIZE, EMBED_DIM), dtype=jnp.float32, minval=-1.0, maxval=1.0)
    return {"x_embed": x_embed, "prompt": prompt, "prompt_key": prompt_key}


def reference(x_embed, prompt, prompt_key):
    # embedding_key == 'mean'
    x_embed_mean = jnp.mean(x_embed, axis=1)
    prompt_norm = l2_normalize(prompt_key, axis=1)
    x_embed_norm = l2_normalize(x_embed_mean, axis=1)
    similarity = jnp.matmul(x_embed_norm, prompt_norm.T)
    # prompt_mask is None, batchwise_prompt is False
    _, idx = jax.lax.top_k(similarity, TOP_K)
    batched_prompt_raw = jnp.take(prompt, idx, axis=0)  # [B, top_k, length, C]
    batch_size = batched_prompt_raw.shape[0]
    batched_prompt = batched_prompt_raw.reshape(batch_size, TOP_K * LENGTH, EMBED_DIM)
    batched_key_norm = jnp.take(prompt_norm, idx, axis=0)  # [B, top_k, C]
    x_embed_norm_e = x_embed_norm[:, None, :]
    sim = batched_key_norm * x_embed_norm_e
    reduce_sim = jnp.sum(sim) / x_embed.shape[0]
    prompted_embedding = jnp.concatenate([batched_prompt, x_embed], axis=1)
    return (prompted_embedding, similarity, reduce_sim, idx)

if __name__ == "__main__":
    import jax
    _d = setup_inputs()
    print(jax.jit(kernel)(*tuple(_d.values())))

</pallas_src>

<mosaic_0001>
#map = affine_map<(d0, d1) -> (0, 0)>
#map1 = affine_map<(d0, d1) -> (0, 0, 0)>
module attributes {stable_mosaic.version = 14 : i64} {
  func.func @_sc_assemble_body(%arg0: i32, %arg1: i32, %arg2: memref<40960x768xf32, #tpu.memory_space<hbm>>, %arg3: memref<128x196x768xf32, #tpu.memory_space<hbm>>, %arg4: memref<128x40xi32, #tpu.memory_space<hbm>>, %arg5: memref<128x236x768xf32, #tpu.memory_space<hbm>>, %arg6: memref<40xi32, #tpu.memory_space<vmem>>, %arg7: memref<40x768xf32, #tpu.memory_space<vmem>>, %arg8: memref<!tpu.dma_semaphore, #tpu.memory_space<semaphore_mem>>) attributes {dimension_semantics = [#tpu.dimension_semantics<core_parallel>, #tpu.dimension_semantics<subcore_parallel>], iteration_bounds = array<i64: 2, 16>, scalar_prefetch = 0 : i64, scratch_operands = 3 : i64, tpu.core_type = #tpu.core_type<sc_vector_subcore>, window_params = [{transform_indices = #map}, {transform_indices = #map1}, {transform_indices = #map}, {transform_indices = #map1}]} {
    %mul3A = arith.constant 2 : i32
    %mul3A_0 = arith.muli %arg1, %mul3A : i32
    %add3A = arith.addi %mul3A_0, %arg0 : i32
    %mul3A_1 = arith.constant 4 : i32
    %mul3A_2 = arith.muli %add3A, %mul3A_1 : i32
    %add3A_3 = arith.constant 0 : i32
    %add3A_4 = arith.addi %mul3A_2, %add3A_3 : i32
    "tpu.region"() ({
      %run_scoped3A_70 = tpu.sem_alloc : memref<!tpu.dma_semaphore, #tpu.memory_space<semaphore_mem>>
      %dma_start3A_71 = arith.constant 0 : i32
      %dma_start3A_72 = tpu.memref_slice %arg4[%add3A_4, %dma_start3A_71] : memref<128x40xi32, #tpu.memory_space<hbm>> -> memref<1x40xi32, #tpu.memory_space<hbm>>
      %dma_start3A_73 = tpu.memref_squeeze %dma_start3A_72 : memref<1x40xi32, #tpu.memory_space<hbm>> -> memref<40xi32, #tpu.memory_space<hbm>>
      %dma_start3A_74 = arith.constant 0 : i32
      %dma_start3A_75 = tpu.memref_slice %arg4[%add3A_4, %dma_start3A_74] : memref<128x40xi32, #tpu.memory_space<hbm>> -> memref<1x40xi32, #tpu.memory_space<hbm>>
      %dma_start3A_76 = tpu.memref_squeeze %dma_start3A_75 : memref<1x40xi32, #tpu.memory_space<hbm>> -> memref<40xi32, #tpu.memory_space<hbm>>
      tpu.enqueue_dma source(%dma_start3A_76 : memref<40xi32, #tpu.memory_space<hbm>>) target(%arg6 : memref<40xi32, #tpu.memory_space<vmem>>) target_semaphore(%run_scoped3A_70 : memref<!tpu.dma_semaphore, #tpu.memory_space<semaphore_mem>>)
      %dma_wait3A_77 = arith.constant 0 : i32
      %dma_wait3A_78 = tpu.memref_slice %arg4[%add3A_4, %dma_wait3A_77] : memref<128x40xi32, #tpu.memory_space<hbm>> -> memref<1x40xi32, #tpu.memory_space<hbm>>
      %dma_wait3A_79 = tpu.memref_squeeze %dma_wait3A_78 : memref<1x40xi32, #tpu.memory_space<hbm>> -> memref<40xi32, #tpu.memory_space<hbm>>
      %dma_wait3A_80 = arith.constant 0 : i32
      %dma_wait3A_81 = tpu.memref_slice %arg4[%add3A_4, %dma_wait3A_80] : memref<128x40xi32, #tpu.memory_space<hbm>> -> memref<1x40xi32, #tpu.memory_space<hbm>>
      %dma_wait3A_82 = tpu.memref_squeeze %dma_wait3A_81 : memref<1x40xi32, #tpu.memory_space<hbm>> -> memref<40xi32, #tpu.memory_space<hbm>>
      tpu.wait_dma2 semaphore(%run_scoped3A_70 : memref<!tpu.dma_semaphore, #tpu.memory_space<semaphore_mem>>) src(%dma_wait3A_82 : memref<40xi32, #tpu.memory_space<hbm>>) dst(%arg6 : memref<40xi32, #tpu.memory_space<vmem>>)
      tpu.yield
    }) : () -> ()
    %dma_start3A = arith.constant 0 : i32
    %dma_start3A_5 = arith.constant 0 : i32
    %dma_start3A_6 = tpu.memref_slice %arg2[%dma_start3A, %dma_start3A_5] : memref<40960x768xf32, #tpu.memory_space<hbm>> -> memref<40960x768xf32, #tpu.memory_space<hbm>>
    tpu.enqueue_indirect_dma source(%dma_start3A_6 : memref<40960x768xf32, #tpu.memory_space<hbm>>) target(%arg7 : memref<40x768xf32, #tpu.memory_space<vmem>>) offsets(%arg6 : memref<40xi32, #tpu.memory_space<vmem>>) semaphore(%arg8 : memref<!tpu.dma_semaphore, #tpu.memory_space<semaphore_mem>>)
    %dma_wait3A = arith.constant 0 : i32
    %dma_wait3A_7 = arith.constant 0 : i32
    %dma_wait3A_8 = tpu.memref_slice %arg2[%dma_wait3A, %dma_wait3A_7] : memref<40960x768xf32, #tpu.memory_space<hbm>> -> memref<40960x768xf32, #tpu.memory_space<hbm>>
    tpu.wait_indirect_dma semaphore(%arg8 : memref<!tpu.dma_semaphore, #tpu.memory_space<semaphore_mem>>) src(%dma_wait3A_8 : memref<40960x768xf32, #tpu.memory_space<hbm>>) dst(%arg7 : memref<40x768xf32, #tpu.memory_space<vmem>>)
    "tpu.region"() ({
      %run_scoped3A_70 = tpu.sem_alloc : memref<!tpu.dma_semaphore, #tpu.memory_space<semaphore_mem>>
      %dma_start3A_71 = arith.constant 0 : i32
      %dma_start3A_72 = arith.constant 0 : i32
      %dma_start3A_73 = tpu.memref_slice %arg5[%add3A_4, %dma_start3A_71, %dma_start3A_72] : memref<128x236x768xf32, #tpu.memory_space<hbm>> -> memref<1x40x768xf32, #tpu.memory_space<hbm>>
      %dma_start3A_74 = tpu.memref_squeeze %dma_start3A_73 : memref<1x40x768xf32, #tpu.memory_space<hbm>> -> memref<40x768xf32, #tpu.memory_space<hbm>>
      %dma_start3A_75 = arith.constant 0 : i32
      %dma_start3A_76 = arith.constant 0 : i32
      %dma_start3A_77 = tpu.memref_slice %arg5[%add3A_4, %dma_start3A_75, %dma_start3A_76] : memref<128x236x768xf32, #tpu.memory_space<hbm>> -> memref<1x40x768xf32, #tpu.memory_space<hbm>>
      %dma_start3A_78 = tpu.memref_squeeze %dma_start3A_77 : memref<1x40x768xf32, #tpu.memory_space<hbm>> -> memref<40x768xf32, #tpu.memory_space<hbm>>
      tpu.enqueue_dma source(%arg7 : memref<40x768xf32, #tpu.memory_space<vmem>>) target(%dma_start3A_78 : memref<40x768xf32, #tpu.memory_space<hbm>>) target_semaphore(%run_scoped3A_70 : memref<!tpu.dma_semaphore, #tpu.memory_space<semaphore_mem>>)
      %dma_wait3A_79 = arith.constant 0 : i32
      %dma_wait3A_80 = arith.constant 0 : i32
      %dma_wait3A_81 = tpu.memref_slice %arg5[%add3A_4, %dma_wait3A_79, %dma_wait3A_80] : memref<128x236x768xf32, #tpu.memory_space<hbm>> -> memref<1x40x768xf32, #tpu.memory_space<hbm>>
      %dma_wait3A_82 = tpu.memref_squeeze %dma_wait3A_81 : memref<1x40x768xf32, #tpu.memory_space<hbm>> -> memref<40x768xf32, #tpu.memory_space<hbm>>
      %dma_wait3A_83 = arith.constant 0 : i32
      %dma_wait3A_84 = arith.constant 0 : i32
      %dma_wait3A_85 = tpu.memref_slice %arg5[%add3A_4, %dma_wait3A_83, %dma_wait3A_84] : memref<128x236x768xf32, #tpu.memory_space<hbm>> -> memref<1x40x768xf32, #tpu.memory_space<hbm>>
      %dma_wait3A_86 = tpu.memref_squeeze %dma_wait3A_85 : memref<1x40x768xf32, #tpu.memory_space<hbm>> -> memref<40x768xf32, #tpu.memory_space<hbm>>
      tpu.wait_dma2 semaphore(%run_scoped3A_70 : memref<!tpu.dma_semaphore, #tpu.memory_space<semaphore_mem>>) src(%arg7 : memref<40x768xf32, #tpu.memory_space<vmem>>) dst(%dma_wait3A_86 : memref<40x768xf32, #tpu.memory_space<hbm>>)
      tpu.yield
    }) : () -> ()
    "tpu.region"() ({
      %run_scoped3A_70 = tpu.sem_alloc : memref<!tpu.dma_semaphore, #tpu.memory_space<semaphore_mem>>
      %dma_start3A_71 = arith.constant 40 : i32
      %dma_start3A_72 = arith.constant 0 : i32
      %dma_start3A_73 = tpu.memref_slice %arg5[%add3A_4, %dma_start3A_71, %dma_start3A_72] : memref<128x236x768xf32, #tpu.memory_space<hbm>> -> memref<1x192x768xf32, #tpu.memory_space<hbm>>
      %dma_start3A_74 = tpu.memref_squeeze %dma_start3A_73 : memref<1x192x768xf32, #tpu.memory_space<hbm>> -> memref<192x768xf32, #tpu.memory_space<hbm>>
      %dma_start3A_75 = arith.constant 0 : i32
      %dma_start3A_76 = arith.constant 0 : i32
      %dma_start3A_77 = tpu.memref_slice %arg3[%add3A_4, %dma_start3A_75, %dma_start3A_76] : memref<128x196x768xf32, #tpu.memory_space<hbm>> -> memref<1x192x768xf32, #tpu.memory_space<hbm>>
      %dma_start3A_78 = tpu.memref_squeeze %dma_start3A_77 : memref<1x192x768xf32, #tpu.memory_space<hbm>> -> memref<192x768xf32, #tpu.memory_space<hbm>>
      tpu.enqueue_dma source(%dma_start3A_78 : memref<192x768xf32, #tpu.memory_space<hbm>>) target(%dma_start3A_74 : memref<192x768xf32, #tpu.memory_space<hbm>>) target_semaphore(%run_scoped3A_70 : memref<!tpu.dma_semaphore, #tpu.memory_space<semaphore_mem>>)
      %dma_wait3A_79 = arith.constant 40 : i32
      %dma_wait3A_80 = arith.constant 0 : i32
      %dma_wait3A_81 = tpu.memref_slice %arg5[%add3A_4, %dma_wait3A_79, %dma_wait3A_80] : memref<128x236x768xf32, #tpu.memory_space<hbm>> -> memref<1x192x768xf32, #tpu.memory_space<hbm>>
      %dma_wait3A_82 = tpu.memref_squeeze %dma_wait3A_81 : memref<1x192x768xf32, #tpu.memory_space<hbm>> -> memref<192x768xf32, #tpu.memory_space<hbm>>
      %dma_wait3A_83 = arith.constant 0 : i32
      %dma_wait3A_84 = arith.constant 0 : i32
      %dma_wait3A_85 = tpu.memref_slice %arg3[%add3A_4, %dma_wait3A_83, %dma_wait3A_84] : memref<128x196x768xf32, #tpu.memory_space<hbm>> -> memref<1x192x768xf32, #tpu.memory_space<hbm>>
      %dma_wait3A_86 = tpu.memref_squeeze %dma_wait3A_85 : memref<1x192x768xf32, #tpu.memory_space<hbm>> -> memref<192x768xf32, #tpu.memory_space<hbm>>
      tpu.wait_dma2 semaphore(%run_scoped3A_70 : memref<!tpu.dma_semaphore, #tpu.memory_space<semaphore_mem>>) src(%dma_wait3A_86 : memref<192x768xf32, #tpu.memory_space<hbm>>) dst(%dma_wait3A_82 : memref<192x768xf32, #tpu.memory_space<hbm>>)
      tpu.yield
    }) : () -> ()
    %run_scoped3A = arith.constant 192 : i32
    %run_scoped3A_9 = arith.constant 232 : i32
    "tpu.region"() ({
      %run_scoped3A_70 = tpu.sem_alloc : memref<!tpu.dma_semaphore, #tpu.memory_space<semaphore_mem>>
      %dma_start3A_71 = arith.constant 0 : i32
      %dma_start3A_72 = tpu.memref_slice %arg5[%add3A_4, %run_scoped3A_9, %dma_start3A_71] : memref<128x236x768xf32, #tpu.memory_space<hbm>> -> memref<1x1x768xf32, #tpu.memory_space<hbm>>
      %dma_start3A_73 = tpu.memref_squeeze %dma_start3A_72 : memref<1x1x768xf32, #tpu.memory_space<hbm>> -> memref<768xf32, #tpu.memory_space<hbm>>
      %dma_start3A_74 = arith.constant 0 : i32
      %dma_start3A_75 = tpu.memref_slice %arg3[%add3A_4, %run_scoped3A, %dma_start3A_74] : memref<128x196x768xf32, #tpu.memory_space<hbm>> -> memref<1x1x768xf32, #tpu.memory_space<hbm>>
      %dma_start3A_76 = tpu.memref_squeeze %dma_start3A_75 : memref<1x1x768xf32, #tpu.memory_space<hbm>> -> memref<768xf32, #tpu.memory_space<hbm>>
      tpu.enqueue_dma source(%dma_start3A_76 : memref<768xf32, #tpu.memory_space<hbm>>) target(%dma_start3A_73 : memref<768xf32, #tpu.memory_space<hbm>>) target_semaphore(%run_scoped3A_70 : memref<!tpu.dma_semaphore, #tpu.memory_space<semaphore_mem>>)
      %dma_wait3A_77 = arith.constant 0 : i32
      %dma_wait3A_78 = tpu.memref_slice %arg5[%add3A_4, %run_scoped3A_9, %dma_wait3A_77] : memref<128x236x768xf32, #tpu.memory_space<hbm>> -> memref<1x1x768xf32, #tpu.memory_space<hbm>>
      %dma_wait3A_79 = tpu.memref_squeeze %dma_wait3A_78 : memref<1x1x768xf32, #tpu.memory_space<hbm>> -> memref<768xf32, #tpu.memory_space<hbm>>
      %dma_wait3A_80 = arith.constant 0 : i32
      %dma_wait3A_81 = tpu.memref_slice %arg3[%add3A_4, %run_scoped3A, %dma_wait3A_80] : memref<128x196x768xf32, #tpu.memory_space<hbm>> -> memref<1x1x768xf32, #tpu.memory_space<hbm>>
      %dma_wait3A_82 = tpu.memref_squeeze %dma_wait3A_81 : memref<1x1x768xf32, #tpu.memory_space<hbm>> -> memref<768xf32, #tpu.memory_space<hbm>>
      tpu.wait_dma2 semaphore(%run_scoped3A_70 : memref<!tpu.dma_semaphore, #tpu.memory_space<semaphore_mem>>) src(%dma_wait3A_82 : memref<768xf32, #tpu.memory_space<hbm>>) dst(%dma_wait3A_79 : memref<768xf32, #tpu.memory_space<hbm>>)
      tpu.yield
    }) : () -> ()
    %run_scoped3A_10 = arith.constant 193 : i32
    %run_scoped3A_11 = arith.constant 233 : i32
    "tpu.region"() ({
      %run_scoped3A_70 = tpu.sem_alloc : memref<!tpu.dma_semaphore, #tpu.memory_space<semaphore_mem>>
      %dma_start3A_71 = arith.constant 0 : i32
      %dma_start3A_72 = tpu.memref_slice %arg5[%add3A_4, %run_scoped3A_11, %dma_start3A_71] : memref<128x236x768xf32, #tpu.memory_space<hbm>> -> memref<1x1x768xf32, #tpu.memory_space<hbm>>
      %dma_start3A_73 = tpu.memref_squeeze %dma_start3A_72 : memref<1x1x768xf32, #tpu.memory_space<hbm>> -> memref<768xf32, #tpu.memory_space<hbm>>
      %dma_start3A_74 = arith.constant 0 : i32
      %dma_start3A_75 = tpu.memref_slice %arg3[%add3A_4, %run_scoped3A_10, %dma_start3A_74] : memref<128x196x768xf32, #tpu.memory_space<hbm>> -> memref<1x1x768xf32, #tpu.memory_space<hbm>>
      %dma_start3A_76 = tpu.memref_squeeze %dma_start3A_75 : memref<1x1x768xf32, #tpu.memory_space<hbm>> -> memref<768xf32, #tpu.memory_space<hbm>>
      tpu.enqueue_dma source(%dma_start3A_76 : memref<768xf32, #tpu.memory_space<hbm>>) target(%dma_start3A_73 : memref<768xf32, #tpu.memory_space<hbm>>) target_semaphore(%run_scoped3A_70 : memref<!tpu.dma_semaphore, #tpu.memory_space<semaphore_mem>>)
      %dma_wait3A_77 = arith.constant 0 : i32
      %dma_wait3A_78 = tpu.memref_slice %arg5[%add3A_4, %run_scoped3A_11, %dma_wait3A_77] : memref<128x236x768xf32, #tpu.memory_space<hbm>> -> memref<1x1x768xf32, #tpu.memory_space<hbm>>
      %dma_wait3A_79 = tpu.memref_squeeze %dma_wait3A_78 : memref<1x1x768xf32, #tpu.memory_space<hbm>> -> memref<768xf32, #tpu.memory_space<hbm>>
      %dma_wait3A_80 = arith.constant 0 : i32
      %dma_wait3A_81 = tpu.memref_slice %arg3[%add3A_4, %run_scoped3A_10, %dma_wait3A_80] : memref<128x196x768xf32, #tpu.memory_space<hbm>> -> memref<1x1x768xf32, #tpu.memory_space<hbm>>
      %dma_wait3A_82 = tpu.memref_squeeze %dma_wait3A_81 : memref<1x1x768xf32, #tpu.memory_space<hbm>> -> memref<768xf32, #tpu.memory_space<hbm>>
      tpu.wait_dma2 semaphore(%run_scoped3A_70 : memref<!tpu.dma_semaphore, #tpu.memory_space<semaphore_mem>>) src(%dma_wait3A_82 : memref<768xf32, #tpu.memory_space<hbm>>) dst(%dma_wait3A_79 : memref<768xf32, #tpu.memory_space<hbm>>)
      tpu.yield
    }) : () -> ()
    %run_scoped3A_12 = arith.constant 194 : i32
    %run_scoped3A_13 = arith.constant 234 : i32
    "tpu.region"() ({
      %run_scoped3A_70 = tpu.sem_alloc : memref<!tpu.dma_semaphore, #tpu.memory_space<semaphore_mem>>
      %dma_start3A_71 = arith.constant 0 : i32
      %dma_start3A_72 = tpu.memref_slice %arg5[%add3A_4, %run_scoped3A_13, %dma_start3A_71] : memref<128x236x768xf32, #tpu.memory_space<hbm>> -> memref<1x1x768xf32, #tpu.memory_space<hbm>>
      %dma_start3A_73 = tpu.memref_squeeze %dma_start3A_72 : memref<1x1x768xf32, #tpu.memory_space<hbm>> -> memref<768xf32, #tpu.memory_space<hbm>>
      %dma_start3A_74 = arith.constant 0 : i32
      %dma_start3A_75 = tpu.memref_slice %arg3[%add3A_4, %run_scoped3A_12, %dma_start3A_74] : memref<128x196x768xf32, #tpu.memory_space<hbm>> -> memref<1x1x768xf32, #tpu.memory_space<hbm>>
      %dma_start3A_76 = tpu.memref_squeeze %dma_start3A_75 : memref<1x1x768xf32, #tpu.memory_space<hbm>> -> memref<768xf32, #tpu.memory_space<hbm>>
      tpu.enqueue_dma source(%dma_start3A_76 : memref<768xf32, #tpu.memory_space<hbm>>) target(%dma_start3A_73 : memref<768xf32, #tpu.memory_space<hbm>>) target_semaphore(%run_scoped3A_70 : memref<!tpu.dma_semaphore, #tpu.memory_space<semaphore_mem>>)
      %dma_wait3A_77 = arith.constant 0 : i32
      %dma_wait3A_78 = tpu.memref_slice %arg5[%add3A_4, %run_scoped3A_13, %dma_wait3A_77] : memref<128x236x768xf32, #tpu.memory_space<hbm>> -> memref<1x1x768xf32, #tpu.memory_space<hbm>>
      %dma_wait3A_79 = tpu.memref_squeeze %dma_wait3A_78 : memref<1x1x768xf32, #tpu.memory_space<hbm>> -> memref<768xf32, #tpu.memory_space<hbm>>
      %dma_wait3A_80 = arith.constant 0 : i32
      %dma_wait3A_81 = tpu.memref_slice %arg3[%add3A_4, %run_scoped3A_12, %dma_wait3A_80] : memref<128x196x768xf32, #tpu.memory_space<hbm>> -> memref<1x1x768xf32, #tpu.memory_space<hbm>>
      %dma_wait3A_82 = tpu.memref_squeeze %dma_wait3A_81 : memref<1x1x768xf32, #tpu.memory_space<hbm>> -> memref<768xf32, #tpu.memory_space<hbm>>
      tpu.wait_dma2 semaphore(%run_scoped3A_70 : memref<!tpu.dma_semaphore, #tpu.memory_space<semaphore_mem>>) src(%dma_wait3A_82 : memref<768xf32, #tpu.memory_space<hbm>>) dst(%dma_wait3A_79 : memref<768xf32, #tpu.memory_space<hbm>>)
      tpu.yield
    }) : () -> ()
    %run_scoped3A_14 = arith.constant 195 : i32
    %run_scoped3A_15 = arith.constant 235 : i32
    "tpu.region"() ({
      %run_scoped3A_70 = tpu.sem_alloc : memref<!tpu.dma_semaphore, #tpu.memory_space<semaphore_mem>>
      %dma_start3A_71 = arith.constant 0 : i32
      %dma_start3A_72 = tpu.memref_slice %arg5[%add3A_4, %run_scoped3A_15, %dma_start3A_71] : memref<128x236x768xf32, #tpu.memory_space<hbm>> -> memref<1x1x768xf32, #tpu.memory_space<hbm>>
      %dma_start3A_73 = tpu.memref_squeeze %dma_start3A_72 : memref<1x1x768xf32, #tpu.memory_space<hbm>> -> memref<768xf32, #tpu.memory_space<hbm>>
      %dma_start3A_74 = arith.constant 0 : i32
      %dma_start3A_75 = tpu.memref_slice %arg3[%add3A_4, %run_scoped3A_14, %dma_start3A_74] : memref<128x196x768xf32, #tpu.memory_space<hbm>> -> memref<1x1x768xf32, #tpu.memory_space<hbm>>
      %dma_start3A_76 = tpu.memref_squeeze %dma_start3A_75 : memref<1x1x768xf32, #tpu.memory_space<hbm>> -> memref<768xf32, #tpu.memory_space<hbm>>
      tpu.enqueue_dma source(%dma_start3A_76 : memref<768xf32, #tpu.memory_space<hbm>>) target(%dma_start3A_73 : memref<768xf32, #tpu.memory_space<hbm>>) target_semaphore(%run_scoped3A_70 : memref<!tpu.dma_semaphore, #tpu.memory_space<semaphore_mem>>)
      %dma_wait3A_77 = arith.constant 0 : i32
      %dma_wait3A_78 = tpu.memref_slice %arg5[%add3A_4, %run_scoped3A_15, %dma_wait3A_77] : memref<128x236x768xf32, #tpu.memory_space<hbm>> -> memref<1x1x768xf32, #tpu.memory_space<hbm>>
      %dma_wait3A_79 = tpu.memref_squeeze %dma_wait3A_78 : memref<1x1x768xf32, #tpu.memory_space<hbm>> -> memref<768xf32, #tpu.memory_space<hbm>>
      %dma_wait3A_80 = arith.constant 0 : i32
      %dma_wait3A_81 = tpu.memref_slice %arg3[%add3A_4, %run_scoped3A_14, %dma_wait3A_80] : memref<128x196x768xf32, #tpu.memory_space<hbm>> -> memref<1x1x768xf32, #tpu.memory_space<hbm>>
      %dma_wait3A_82 = tpu.memref_squeeze %dma_wait3A_81 : memref<1x1x768xf32, #tpu.memory_space<hbm>> -> memref<768xf32, #tpu.memory_space<hbm>>
      tpu.wait_dma2 semaphore(%run_scoped3A_70 : memref<!tpu.dma_semaphore, #tpu.memory_space<semaphore_mem>>) src(%dma_wait3A_82 : memref<768xf32, #tpu.memory_space<hbm>>) dst(%dma_wait3A_79 : memref<768xf32, #tpu.memory_space<hbm>>)
      tpu.yield
    }) : () -> ()
    %mul3A_16 = arith.constant 4 : i32
    %mul3A_17 = arith.muli %add3A, %mul3A_16 : i32
    %add3A_18 = arith.constant 1 : i32
    %add3A_19 = arith.addi %mul3A_17, %add3A_18 : i32
    "tpu.region"() ({
      %run_scoped3A_70 = tpu.sem_alloc : memref<!tpu.dma_semaphore, #tpu.memory_space<semaphore_mem>>
      %dma_start3A_71 = arith.constant 0 : i32
      %dma_start3A_72 = tpu.memref_slice %arg4[%add3A_19, %dma_start3A_71] : memref<128x40xi32, #tpu.memory_space<hbm>> -> memref<1x40xi32, #tpu.memory_space<hbm>>
      %dma_start3A_73 = tpu.memref_squeeze %dma_start3A_72 : memref<1x40xi32, #tpu.memory_space<hbm>> -> memref<40xi32, #tpu.memory_space<hbm>>
      %dma_start3A_74 = arith.constant 0 : i32
      %dma_start3A_75 = tpu.memref_slice %arg4[%add3A_19, %dma_start3A_74] : memref<128x40xi32, #tpu.memory_space<hbm>> -> memref<1x40xi32, #tpu.memory_space<hbm>>
      %dma_start3A_76 = tpu.memref_squeeze %dma_start3A_75 : memref<1x40xi32, #tpu.memory_space<hbm>> -> memref<40xi32, #tpu.memory_space<hbm>>
      tpu.enqueue_dma source(%dma_start3A_76 : memref<40xi32, #tpu.memory_space<hbm>>) target(%arg6 : memref<40xi32, #tpu.memory_space<vmem>>) target_semaphore(%run_scoped3A_70 : memref<!tpu.dma_semaphore, #tpu.memory_space<semaphore_mem>>)
      %dma_wait3A_77 = arith.constant 0 : i32
      %dma_wait3A_78 = tpu.memref_slice %arg4[%add3A_19, %dma_wait3A_77] : memref<128x40xi32, #tpu.memory_space<hbm>> -> memref<1x40xi32, #tpu.memory_space<hbm>>
      %dma_wait3A_79 = tpu.memref_squeeze %dma_wait3A_78 : memref<1x40xi32, #tpu.memory_space<hbm>> -> memref<40xi32, #tpu.memory_space<hbm>>
      %dma_wait3A_80 = arith.constant 0 : i32
      %dma_wait3A_81 = tpu.memref_slice %arg4[%add3A_19, %dma_wait3A_80] : memref<128x40xi32, #tpu.memory_space<hbm>> -> memref<1x40xi32, #tpu.memory_space<hbm>>
      %dma_wait3A_82 = tpu.memref_squeeze %dma_wait3A_81 : memref<1x40xi32, #tpu.memory_space<hbm>> -> memref<40xi32, #tpu.memory_space<hbm>>
      tpu.wait_dma2 semaphore(%run_scoped3A_70 : memref<!tpu.dma_semaphore, #tpu.memory_space<semaphore_mem>>) src(%dma_wait3A_82 : memref<40xi32, #tpu.memory_space<hbm>>) dst(%arg6 : memref<40xi32, #tpu.memory_space<vmem>>)
      tpu.yield
    }) : () -> ()
    %dma_start3A_20 = arith.constant 0 : i32
    %dma_start3A_21 = arith.constant 0 : i32
    %dma_start3A_22 = tpu.memref_slice %arg2[%dma_start3A_20, %dma_start3A_21] : memref<40960x768xf32, #tpu.memory_space<hbm>> -> memref<40960x768xf32, #tpu.memory_space<hbm>>
    tpu.enqueue_indirect_dma source(%dma_start3A_22 : memref<40960x768xf32, #tpu.memory_space<hbm>>) target(%arg7 : memref<40x768xf32, #tpu.memory_space<vmem>>) offsets(%arg6 : memref<40xi32, #tpu.memory_space<vmem>>) semaphore(%arg8 : memref<!tpu.dma_semaphore, #tpu.memory_space<semaphore_mem>>)
    %dma_wait3A_23 = arith.constant 0 : i32
    %dma_wait3A_24 = arith.constant 0 : i32
    %dma_wait3A_25 = tpu.memref_slice %arg2[%dma_wait3A_23, %dma_wait3A_24] : memref<40960x768xf32, #tpu.memory_space<hbm>> -> memref<40960x768xf32, #tpu.memory_space<hbm>>
    tpu.wait_indirect_dma semaphore(%arg8 : memref<!tpu.dma_semaphore, #tpu.memory_space<semaphore_mem>>) src(%dma_wait3A_25 : memref<40960x768xf32, #tpu.memory_space<hbm>>) dst(%arg7 : memref<40x768xf32, #tpu.memory_space<vmem>>)
    "tpu.region"() ({
      %run_scoped3A_70 = tpu.sem_alloc : memref<!tpu.dma_semaphore, #tpu.memory_space<semaphore_mem>>
      %dma_start3A_71 = arith.constant 0 : i32
      %dma_start3A_72 = arith.constant 0 : i32
      %dma_start3A_73 = tpu.memref_slice %arg5[%add3A_19, %dma_start3A_71, %dma_start3A_72] : memref<128x236x768xf32, #tpu.memory_space<hbm>> -> memref<1x40x768xf32, #tpu.memory_space<hbm>>
      %dma_start3A_74 = tpu.memref_squeeze %dma_start3A_73 : memref<1x40x768xf32, #tpu.memory_space<hbm>> -> memref<40x768xf32, #tpu.memory_space<hbm>>
      %dma_start3A_75 = arith.constant 0 : i32
      %dma_start3A_76 = arith.constant 0 : i32
      %dma_start3A_77 = tpu.memref_slice %arg5[%add3A_19, %dma_start3A_75, %dma_start3A_76] : memref<128x236x768xf32, #tpu.memory_space<hbm>> -> memref<1x40x768xf32, #tpu.memory_space<hbm>>
      %dma_start3A_78 = tpu.memref_squeeze %dma_start3A_77 : memref<1x40x768xf32, #tpu.memory_space<hbm>> -> memref<40x768xf32, #tpu.memory_space<hbm>>
      tpu.enqueue_dma source(%arg7 : memref<40x768xf32, #tpu.memory_space<vmem>>) target(%dma_start3A_78 : memref<40x768xf32, #tpu.memory_space<hbm>>) target_semaphore(%run_scoped3A_70 : memref<!tpu.dma_semaphore, #tpu.memory_space<semaphore_mem>>)
      %dma_wait3A_79 = arith.constant 0 : i32
      %dma_wait3A_80 = arith.constant 0 : i32
      %dma_wait3A_81 = tpu.memref_slice %arg5[%add3A_19, %dma_wait3A_79, %dma_wait3A_80] : memref<128x236x768xf32, #tpu.memory_space<hbm>> -> memref<1x40x768xf32, #tpu.memory_space<hbm>>
      %dma_wait3A_82 = tpu.memref_squeeze %dma_wait3A_81 : memref<1x40x768xf32, #tpu.memory_space<hbm>> -> memref<40x768xf32, #tpu.memory_space<hbm>>
      %dma_wait3A_83 = arith.constant 0 : i32
      %dma_wait3A_84 = arith.constant 0 : i32
      %dma_wait3A_85 = tpu.memref_slice %arg5[%add3A_19, %dma_wait3A_83, %dma_wait3A_84] : memref<128x236x768xf32, #tpu.memory_space<hbm>> -> memref<1x40x768xf32, #tpu.memory_space<hbm>>
      %dma_wait3A_86 = tpu.memref_squeeze %dma_wait3A_85 : memref<1x40x768xf32, #tpu.memory_space<hbm>> -> memref<40x768xf32, #tpu.memory_space<hbm>>
      tpu.wait_dma2 semaphore(%run_scoped3A_70 : memref<!tpu.dma_semaphore, #tpu.memory_space<semaphore_mem>>) src(%arg7 : memref<40x768xf32, #tpu.memory_space<vmem>>) dst(%dma_wait3A_86 : memref<40x768xf32, #tpu.memory_space<hbm>>)
      tpu.yield
    }) : () -> ()
    "tpu.region"() ({
      %run_scoped3A_70 = tpu.sem_alloc : memref<!tpu.dma_semaphore, #tpu.memory_space<semaphore_mem>>
      %dma_start3A_71 = arith.constant 40 : i32
      %dma_start3A_72 = arith.constant 0 : i32
      %dma_start3A_73 = tpu.memref_slice %arg5[%add3A_19, %dma_start3A_71, %dma_start3A_72] : memref<128x236x768xf32, #tpu.memory_space<hbm>> -> memref<1x192x768xf32, #tpu.memory_space<hbm>>
      %dma_start3A_74 = tpu.memref_squeeze %dma_start3A_73 : memref<1x192x768xf32, #tpu.memory_space<hbm>> -> memref<192x768xf32, #tpu.memory_space<hbm>>
      %dma_start3A_75 = arith.constant 0 : i32
      %dma_start3A_76 = arith.constant 0 : i32
      %dma_start3A_77 = tpu.memref_slice %arg3[%add3A_19, %dma_start3A_75, %dma_start3A_76] : memref<128x196x768xf32, #tpu.memory_space<hbm>> -> memref<1x192x768xf32, #tpu.memory_space<hbm>>
      %dma_start3A_78 = tpu.memref_squeeze %dma_start3A_77 : memref<1x192x768xf32, #tpu.memory_space<hbm>> -> memref<192x768xf32, #tpu.memory_space<hbm>>
      tpu.enqueue_dma source(%dma_start3A_78 : memref<192x768xf32, #tpu.memory_space<hbm>>) target(%dma_start3A_74 : memref<192x768xf32, #tpu.memory_space<hbm>>) target_semaphore(%run_scoped3A_70 : memref<!tpu.dma_semaphore, #tpu.memory_space<semaphore_mem>>)
      %dma_wait3A_79 = arith.constant 40 : i32
      %dma_wait3A_80 = arith.constant 0 : i32
      %dma_wait3A_81 = tpu.memref_slice %arg5[%add3A_19, %dma_wait3A_79, %dma_wait3A_80] : memref<128x236x768xf32, #tpu.memory_space<hbm>> -> memref<1x192x768xf32, #tpu.memory_space<hbm>>
      %dma_wait3A_82 = tpu.memref_squeeze %dma_wait3A_81 : memref<1x192x768xf32, #tpu.memory_space<hbm>> -> memref<192x768xf32, #tpu.memory_space<hbm>>
      %dma_wait3A_83 = arith.constant 0 : i32
      %dma_wait3A_84 = arith.constant 0 : i32
      %dma_wait3A_85 = tpu.memref_slice %arg3[%add3A_19, %dma_wait3A_83, %dma_wait3A_84] : memref<128x196x768xf32, #tpu.memory_space<hbm>> -> memref<1x192x768xf32, #tpu.memory_space<hbm>>
      %dma_wait3A_86 = tpu.memref_squeeze %dma_wait3A_85 : memref<1x192x768xf32, #tpu.memory_space<hbm>> -> memref<192x768xf32, #tpu.memory_space<hbm>>
      tpu.wait_dma2 semaphore(%run_scoped3A_70 : memref<!tpu.dma_semaphore, #tpu.memory_space<semaphore_mem>>) src(%dma_wait3A_86 : memref<192x768xf32, #tpu.memory_space<hbm>>) dst(%dma_wait3A_82 : memref<192x768xf32, #tpu.memory_space<hbm>>)
      tpu.yield
    }) : () -> ()
    %run_scoped3A_26 = arith.constant 192 : i32
    %run_scoped3A_27 = arith.constant 232 : i32
    "tpu.region"() ({
      %run_scoped3A_70 = tpu.sem_alloc : memref<!tpu.dma_semaphore, #tpu.memory_space<semaphore_mem>>
      %dma_start3A_71 = arith.constant 0 : i32
      %dma_start3A_72 = tpu.memref_slice %arg5[%add3A_19, %run_scoped3A_27, %dma_start3A_71] : memref<128x236x768xf32, #tpu.memory_space<hbm>> -> memref<1x1x768xf32, #tpu.memory_space<hbm>>
      %dma_start3A_73 = tpu.memref_squeeze %dma_start3A_72 : memref<1x1x768xf32, #tpu.memory_space<hbm>> -> memref<768xf32, #tpu.memory_space<hbm>>
      %dma_start3A_74 = arith.constant 0 : i32
      %dma_start3A_75 = tpu.memref_slice %arg3[%add3A_19, %run_scoped3A_26, %dma_start3A_74] : memref<128x196x768xf32, #tpu.memory_space<hbm>> -> memref<1x1x768xf32, #tpu.memory_space<hbm>>
      %dma_start3A_76 = tpu.memref_squeeze %dma_start3A_75 : memref<1x1x768xf32, #tpu.memory_space<hbm>> -> memref<768xf32, #tpu.memory_space<hbm>>
      tpu.enqueue_dma source(%dma_start3A_76 : memref<768xf32, #tpu.memory_space<hbm>>) target(%dma_start3A_73 : memref<768xf32, #tpu.memory_space<hbm>>) target_semaphore(%run_scoped3A_70 : memref<!tpu.dma_semaphore, #tpu.memory_space<semaphore_mem>>)
      %dma_wait3A_77 = arith.constant 0 : i32
      %dma_wait3A_78 = tpu.memref_slice %arg5[%add3A_19, %run_scoped3A_27, %dma_wait3A_77] : memref<128x236x768xf32, #tpu.memory_space<hbm>> -> memref<1x1x768xf32, #tpu.memory_space<hbm>>
      %dma_wait3A_79 = tpu.memref_squeeze %dma_wait3A_78 : memref<1x1x768xf32, #tpu.memory_space<hbm>> -> memref<768xf32, #tpu.memory_space<hbm>>
      %dma_wait3A_80 = arith.constant 0 : i32
      %dma_wait3A_81 = tpu.memref_slice %arg3[%add3A_19, %run_scoped3A_26, %dma_wait3A_80] : memref<128x196x768xf32, #tpu.memory_space<hbm>> -> memref<1x1x768xf32, #tpu.memory_space<hbm>>
      %dma_wait3A_82 = tpu.memref_squeeze %dma_wait3A_81 : memref<1x1x768xf32, #tpu.memory_space<hbm>> -> memref<768xf32, #tpu.memory_space<hbm>>
      tpu.wait_dma2 semaphore(%run_scoped3A_70 : memref<!tpu.dma_semaphore, #tpu.memory_space<semaphore_mem>>) src(%dma_wait3A_82 : memref<768xf32, #tpu.memory_space<hbm>>) dst(%dma_wait3A_79 : memref<768xf32, #tpu.memory_space<hbm>>)
      tpu.yield
    }) : () -> ()
    %run_scoped3A_28 = arith.constant 193 : i32
    %run_scoped3A_29 = arith.constant 233 : i32
    "tpu.region"() ({
      %run_scoped3A_70 = tpu.sem_alloc : memref<!tpu.dma_semaphore, #tpu.memory_space<semaphore_mem>>
      %dma_start3A_71 = arith.constant 0 : i32
      %dma_start3A_72 = tpu.memref_slice %arg5[%add3A_19, %run_scoped3A_29, %dma_start3A_71] : memref<128x236x768xf32, #tpu.memory_space<hbm>> -> memref<1x1x768xf32, #tpu.memory_space<hbm>>
      %dma_start3A_73 = tpu.memref_squeeze %dma_start3A_72 : memref<1x1x768xf32, #tpu.memory_space<hbm>> -> memref<768xf32, #tpu.memory_space<hbm>>
      %dma_start3A_74 = arith.constant 0 : i32
      %dma_start3A_75 = tpu.memref_slice %arg3[%add3A_19, %run_scoped3A_28, %dma_start3A_74] : memref<128x196x768xf32, #tpu.memory_space<hbm>> -> memref<1x1x768xf32, #tpu.memory_space<hbm>>
      %dma_start3A_76 = tpu.memref_squeeze %dma_start3A_75 : memref<1x1x768xf32, #tpu.memory_space<hbm>> -> memref<768xf32, #tpu.memory_space<hbm>>
      tpu.enqueue_dma source(%dma_start3A_76 : memref<768xf32, #tpu.memory_space<hbm>>) target(%dma_start3A_73 : memref<768xf32, #tpu.memory_space<hbm>>) target_semaphore(%run_scoped3A_70 : memref<!tpu.dma_semaphore, #tpu.memory_space<semaphore_mem>>)
      %dma_wait3A_77 = arith.constant 0 : i32
      %dma_wait3A_78 = tpu.memref_slice %arg5[%add3A_19, %run_scoped3A_29, %dma_wait3A_77] : memref<128x236x768xf32, #tpu.memory_space<hbm>> -> memref<1x1x768xf32, #tpu.memory_space<hbm>>
      %dma_wait3A_79 = tpu.memref_squeeze %dma_wait3A_78 : memref<1x1x768xf32, #tpu.memory_space<hbm>> -> memref<768xf32, #tpu.memory_space<hbm>>
      %dma_wait3A_80 = arith.constant 0 : i32
      %dma_wait3A_81 = tpu.memref_slice %arg3[%add3A_19, %run_scoped3A_28, %dma_wait3A_80] : memref<128x196x768xf32, #tpu.memory_space<hbm>> -> memref<1x1x768xf32, #tpu.memory_space<hbm>>
      %dma_wait3A_82 = tpu.memref_squeeze %dma_wait3A_81 : memref<1x1x768xf32, #tpu.memory_space<hbm>> -> memref<768xf32, #tpu.memory_space<hbm>>
      tpu.wait_dma2 semaphore(%run_scoped3A_70 : memref<!tpu.dma_semaphore, #tpu.memory_space<semaphore_mem>>) src(%dma_wait3A_82 : memref<768xf32, #tpu.memory_space<hbm>>) dst(%dma_wait3A_79 : memref<768xf32, #tpu.memory_space<hbm>>)
      tpu.yield
    }) : () -> ()
    %run_scoped3A_30 = arith.constant 194 : i32
    %run_scoped3A_31 = arith.constant 234 : i32
    "tpu.region"() ({
      %run_scoped3A_70 = tpu.sem_alloc : memref<!tpu.dma_semaphore, #tpu.memory_space<semaphore_mem>>
      %dma_start3A_71 = arith.constant 0 : i32
      %dma_start3A_72 = tpu.memref_slice %arg5[%add3A_19, %run_scoped3A_31, %dma_start3A_71] : memref<128x236x768xf32, #tpu.memory_space<hbm>> -> memref<1x1x768xf32, #tpu.memory_space<hbm>>
      %dma_start3A_73 = tpu.memref_squeeze %dma_start3A_72 : memref<1x1x768xf32, #tpu.memory_space<hbm>> -> memref<768xf32, #tpu.memory_space<hbm>>
      %dma_start3A_74 = arith.constant 0 : i32
      %dma_start3A_75 = tpu.memref_slice %arg3[%add3A_19, %run_scoped3A_30, %dma_start3A_74] : memref<128x196x768xf32, #tpu.memory_space<hbm>> -> memref<1x1x768xf32, #tpu.memory_space<hbm>>
      %dma_start3A_76 = tpu.memref_squeeze %dma_start3A_75 : memref<1x1x768xf32, #tpu.memory_space<hbm>> -> memref<768xf32, #tpu.memory_space<hbm>>
      tpu.enqueue_dma source(%dma_start3A_76 : memref<768xf32, #tpu.memory_space<hbm>>) target(%dma_start3A_73 : memref<768xf32, #tpu.memory_space<hbm>>) target_semaphore(%run_scoped3A_70 : memref<!tpu.dma_semaphore, #tpu.memory_space<semaphore_mem>>)
      %dma_wait3A_77 = arith.constant 0 : i32
      %dma_wait3A_78 = tpu.memref_slice %arg5[%add3A_19, %run_scoped3A_31, %dma_wait3A_77] : memref<128x236x768xf32, #tpu.memory_space<hbm>> -> memref<1x1x768xf32, #tpu.memory_space<hbm>>
      %dma_wait3A_79 = tpu.memref_squeeze %dma_wait3A_78 : memref<1x1x768xf32, #tpu.memory_space<hbm>> -> memref<768xf32, #tpu.memory_space<hbm>>
      %dma_wait3A_80 = arith.constant 0 : i32
      %dma_wait3A_81 = tpu.memref_slice %arg3[%add3A_19, %run_scoped3A_30, %dma_wait3A_80] : memref<128x196x768xf32, #tpu.memory_space<hbm>> -> memref<1x1x768xf32, #tpu.memory_space<hbm>>
      %dma_wait3A_82 = tpu.memref_squeeze %dma_wait3A_81 : memref<1x1x768xf32, #tpu.memory_space<hbm>> -> memref<768xf32, #tpu.memory_space<hbm>>
      tpu.wait_dma2 semaphore(%run_scoped3A_70 : memref<!tpu.dma_semaphore, #tpu.memory_space<semaphore_mem>>) src(%dma_wait3A_82 : memref<768xf32, #tpu.memory_space<hbm>>) dst(%dma_wait3A_79 : memref<768xf32, #tpu.memory_space<hbm>>)
      tpu.yield
    }) : () -> ()
    %run_scoped3A_32 = arith.constant 195 : i32
    %run_scoped3A_33 = arith.constant 235 : i32
    "tpu.region"() ({
      %run_scoped3A_70 = tpu.sem_alloc : memref<!tpu.dma_semaphore, #tpu.memory_space<semaphore_mem>>
      %dma_start3A_71 = arith.constant 0 : i32
      %dma_start3A_72 = tpu.memref_slice %arg5[%add3A_19, %run_scoped3A_33, %dma_start3A_71] : memref<128x236x768xf32, #tpu.memory_space<hbm>> -> memref<1x1x768xf32, #tpu.memory_space<hbm>>
      %dma_start3A_73 = tpu.memref_squeeze %dma_start3A_72 : memref<1x1x768xf32, #tpu.memory_space<hbm>> -> memref<768xf32, #tpu.memory_space<hbm>>
      %dma_start3A_74 = arith.constant 0 : i32
      %dma_start3A_75 = tpu.memref_slice %arg3[%add3A_19, %run_scoped3A_32, %dma_start3A_74] : memref<128x196x768xf32, #tpu.memory_space<hbm>> -> memref<1x1x768xf32, #tpu.memory_space<hbm>>
      %dma_start3A_76 = tpu.memref_squeeze %dma_start3A_75 : memref<1x1x768xf32, #tpu.memory_space<hbm>> -> memref<768xf32, #tpu.memory_space<hbm>>
      tpu.enqueue_dma source(%dma_start3A_76 : memref<768xf32, #tpu.memory_space<hbm>>) target(%dma_start3A_73 : memref<768xf32, #tpu.memory_space<hbm>>) target_semaphore(%run_scoped3A_70 : memref<!tpu.dma_semaphore, #tpu.memory_space<semaphore_mem>>)
      %dma_wait3A_77 = arith.constant 0 : i32
      %dma_wait3A_78 = tpu.memref_slice %arg5[%add3A_19, %run_scoped3A_33, %dma_wait3A_77] : memref<128x236x768xf32, #tpu.memory_space<hbm>> -> memref<1x1x768xf32, #tpu.memory_space<hbm>>
      %dma_wait3A_79 = tpu.memref_squeeze %dma_wait3A_78 : memref<1x1x768xf32, #tpu.memory_space<hbm>> -> memref<768xf32, #tpu.memory_space<hbm>>
      %dma_wait3A_80 = arith.constant 0 : i32
      %dma_wait3A_81 = tpu.memref_slice %arg3[%add3A_19, %run_scoped3A_32, %dma_wait3A_80] : memref<128x196x768xf32, #tpu.memory_space<hbm>> -> memref<1x1x768xf32, #tpu.memory_space<hbm>>
      %dma_wait3A_82 = tpu.memref_squeeze %dma_wait3A_81 : memref<1x1x768xf32, #tpu.memory_space<hbm>> -> memref<768xf32, #tpu.memory_space<hbm>>
      tpu.wait_dma2 semaphore(%run_scoped3A_70 : memref<!tpu.dma_semaphore, #tpu.memory_space<semaphore_mem>>) src(%dma_wait3A_82 : memref<768xf32, #tpu.memory_space<hbm>>) dst(%dma_wait3A_79 : memref<768xf32, #tpu.memory_space<hbm>>)
      tpu.yield
    }) : () -> ()
    %mul3A_34 = arith.constant 4 : i32
    %mul3A_35 = arith.muli %add3A, %mul3A_34 : i32
    %add3A_36 = arith.constant 2 : i32
    %add3A_37 = arith.addi %mul3A_35, %add3A_36 : i32
    "tpu.region"() ({
      %run_scoped3A_70 = tpu.sem_alloc : memref<!tpu.dma_semaphore, #tpu.memory_space<semaphore_mem>>
      %dma_start3A_71 = arith.constant 0 : i32
      %dma_start3A_72 = tpu.memref_slice %arg4[%add3A_37, %dma_start3A_71] : memref<128x40xi32, #tpu.memory_space<hbm>> -> memref<1x40xi32, #tpu.memory_space<hbm>>
      %dma_start3A_73 = tpu.memref_squeeze %dma_start3A_72 : memref<1x40xi32, #tpu.memory_space<hbm>> -> memref<40xi32, #tpu.memory_space<hbm>>
      %dma_start3A_74 = arith.constant 0 : i32
      %dma_start3A_75 = tpu.memref_slice %arg4[%add3A_37, %dma_start3A_74] : memref<128x40xi32, #tpu.memory_space<hbm>> -> memref<1x40xi32, #tpu.memory_space<hbm>>
      %dma_start3A_76 = tpu.memref_squeeze %dma_start3A_75 : memref<1x40xi32, #tpu.memory_space<hbm>> -> memref<40xi32, #tpu.memory_space<hbm>>
      tpu.enqueue_dma source(%dma_start3A_76 : memref<40xi32, #tpu.memory_space<hbm>>) target(%arg6 : memref<40xi32, #tpu.memory_space<vmem>>) target_semaphore(%run_scoped3A_70 : memref<!tpu.dma_semaphore, #tpu.memory_space<semaphore_mem>>)
      %dma_wait3A_77 = arith.constant 0 : i32
      %dma_wait3A_78 = tpu.memref_slice %arg4[%add3A_37, %dma_wait3A_77] : memref<128x40xi32, #tpu.memory_space<hbm>> -> memref<1x40xi32, #tpu.memory_space<hbm>>
      %dma_wait3A_79 = tpu.memref_squeeze %dma_wait3A_78 : memref<1x40xi32, #tpu.memory_space<hbm>> -> memref<40xi32, #tpu.memory_space<hbm>>
      %dma_wait3A_80 = arith.constant 0 : i32
      %dma_wait3A_81 = tpu.memref_slice %arg4[%add3A_37, %dma_wait3A_80] : memref<128x40xi32, #tpu.memory_space<hbm>> -> memref<1x40xi32, #tpu.memory_space<hbm>>
      %dma_wait3A_82 = tpu.memref_squeeze %dma_wait3A_81 : memref<1x40xi32, #tpu.memory_space<hbm>> -> memref<40xi32, #tpu.memory_space<hbm>>
      tpu.wait_dma2 semaphore(%run_scoped3A_70 : memref<!tpu.dma_semaphore, #tpu.memory_space<semaphore_mem>>) src(%dma_wait3A_82 : memref<40xi32, #tpu.memory_space<hbm>>) dst(%arg6 : memref<40xi32, #tpu.memory_space<vmem>>)
      tpu.yield
    }) : () -> ()
    %dma_start3A_38 = arith.constant 0 : i32
    %dma_start3A_39 = arith.constant 0 : i32
    %dma_start3A_40 = tpu.memref_slice %arg2[%dma_start3A_38, %dma_start3A_39] : memref<40960x768xf32, #tpu.memory_space<hbm>> -> memref<40960x768xf32, #tpu.memory_space<hbm>>
    tpu.enqueue_indirect_dma source(%dma_start3A_40 : memref<40960x768xf32, #tpu.memory_space<hbm>>) target(%arg7 : memref<40x768xf32, #tpu.memory_space<vmem>>) offsets(%arg6 : memref<40xi32, #tpu.memory_space<vmem>>) semaphore(%arg8 : memref<!tpu.dma_semaphore, #tpu.memory_space<semaphore_mem>>)
    %dma_wait3A_41 = arith.constant 0 : i32
    %dma_wait3A_42 = arith.constant 0 : i32
    %dma_wait3A_43 = tpu.memref_slice %arg2[%dma_wait3A_41, %dma_wait3A_42] : memref<40960x768xf32, #tpu.memory_space<hbm>> -> memref<40960x768xf32, #tpu.memory_space<hbm>>
    tpu.wait_indirect_dma semaphore(%arg8 : memref<!tpu.dma_semaphore, #tpu.memory_space<semaphore_mem>>) src(%dma_wait3A_43 : memref<40960x768xf32, #tpu.memory_space<hbm>>) dst(%arg7 : memref<40x768xf32, #tpu.memory_space<vmem>>)
    "tpu.region"() ({
      %run_scoped3A_70 = tpu.sem_alloc : memref<!tpu.dma_semaphore, #tpu.memory_space<semaphore_mem>>
      %dma_start3A_71 = arith.constant 0 : i32
      %dma_start3A_72 = arith.constant 0 : i32
      %dma_start3A_73 = tpu.memref_slice %arg5[%add3A_37, %dma_start3A_71, %dma_start3A_72] : memref<128x236x768xf32, #tpu.memory_space<hbm>> -> memref<1x40x768xf32, #tpu.memory_space<hbm>>
      %dma_start3A_74 = tpu.memref_squeeze %dma_start3A_73 : memref<1x40x768xf32, #tpu.memory_space<hbm>> -> memref<40x768xf32, #tpu.memory_space<hbm>>
      %dma_start3A_75 = arith.constant 0 : i32
      %dma_start3A_76 = arith.constant 0 : i32
      %dma_start3A_77 = tpu.memref_slice %arg5[%add3A_37, %dma_start3A_75, %dma_start3A_76] : memref<128x236x768xf32, #tpu.memory_space<hbm>> -> memref<1x40x768xf32, #tpu.memory_space<hbm>>
      %dma_start3A_78 = tpu.memref_squeeze %dma_start3A_77 : memref<1x40x768xf32, #tpu.memory_space<hbm>> -> memref<40x768xf32, #tpu.memory_space<hbm>>
      tpu.enqueue_dma source(%arg7 : memref<40x768xf32, #tpu.memory_space<vmem>>) target(%dma_start3A_78 : memref<40x768xf32, #tpu.memory_space<hbm>>) target_semaphore(%run_scoped3A_70 : memref<!tpu.dma_semaphore, #tpu.memory_space<semaphore_mem>>)
      %dma_wait3A_79 = arith.constant 0 : i32
      %dma_wait3A_80 = arith.constant 0 : i32
      %dma_wait3A_81 = tpu.memref_slice %arg5[%add3A_37, %dma_wait3A_79, %dma_wait3A_80] : memref<128x236x768xf32, #tpu.memory_space<hbm>> -> memref<1x40x768xf32, #tpu.memory_space<hbm>>
      %dma_wait3A_82 = tpu.memref_squeeze %dma_wait3A_81 : memref<1x40x768xf32, #tpu.memory_space<hbm>> -> memref<40x768xf32, #tpu.memory_space<hbm>>
      %dma_wait3A_83 = arith.constant 0 : i32
      %dma_wait3A_84 = arith.constant 0 : i32
      %dma_wait3A_85 = tpu.memref_slice %arg5[%add3A_37, %dma_wait3A_83, %dma_wait3A_84] : memref<128x236x768xf32, #tpu.memory_space<hbm>> -> memref<1x40x768xf32, #tpu.memory_space<hbm>>
      %dma_wait3A_86 = tpu.memref_squeeze %dma_wait3A_85 : memref<1x40x768xf32, #tpu.memory_space<hbm>> -> memref<40x768xf32, #tpu.memory_space<hbm>>
      tpu.wait_dma2 semaphore(%run_scoped3A_70 : memref<!tpu.dma_semaphore, #tpu.memory_space<semaphore_mem>>) src(%arg7 : memref<40x768xf32, #tpu.memory_space<vmem>>) dst(%dma_wait3A_86 : memref<40x768xf32, #tpu.memory_space<hbm>>)
      tpu.yield
    }) : () -> ()
    "tpu.region"() ({
      %run_scoped3A_70 = tpu.sem_alloc : memref<!tpu.dma_semaphore, #tpu.memory_space<semaphore_mem>>
      %dma_start3A_71 = arith.constant 40 : i32
      %dma_start3A_72 = arith.constant 0 : i32
      %dma_start3A_73 = tpu.memref_slice %arg5[%add3A_37, %dma_start3A_71, %dma_start3A_72] : memref<128x236x768xf32, #tpu.memory_space<hbm>> -> memref<1x192x768xf32, #tpu.memory_space<hbm>>
      %dma_start3A_74 = tpu.memref_squeeze %dma_start3A_73 : memref<1x192x768xf32, #tpu.memory_space<hbm>> -> memref<192x768xf32, #tpu.memory_space<hbm>>
      %dma_start3A_75 = arith.constant 0 : i32
      %dma_start3A_76 = arith.constant 0 : i32
      %dma_start3A_77 = tpu.memref_slice %arg3[%add3A_37, %dma_start3A_75, %dma_start3A_76] : memref<128x196x768xf32, #tpu.memory_space<hbm>> -> memref<1x192x768xf32, #tpu.memory_space<hbm>>
      %dma_start3A_78 = tpu.memref_squeeze %dma_start3A_77 : memref<1x192x768xf32, #tpu.memory_space<hbm>> -> memref<192x768xf32, #tpu.memory_space<hbm>>
      tpu.enqueue_dma source(%dma_start3A_78 : memref<192x768xf32, #tpu.memory_space<hbm>>) target(%dma_start3A_74 : memref<192x768xf32, #tpu.memory_space<hbm>>) target_semaphore(%run_scoped3A_70 : memref<!tpu.dma_semaphore, #tpu.memory_space<semaphore_mem>>)
      %dma_wait3A_79 = arith.constant 40 : i32
      %dma_wait3A_80 = arith.constant 0 : i32
      %dma_wait3A_81 = tpu.memref_slice %arg5[%add3A_37, %dma_wait3A_79, %dma_wait3A_80] : memref<128x236x768xf32, #tpu.memory_space<hbm>> -> memref<1x192x768xf32, #tpu.memory_space<hbm>>
      %dma_wait3A_82 = tpu.memref_squeeze %dma_wait3A_81 : memref<1x192x768xf32, #tpu.memory_space<hbm>> -> memref<192x768xf32, #tpu.memory_space<hbm>>
      %dma_wait3A_83 = arith.constant 0 : i32
      %dma_wait3A_84 = arith.constant 0 : i32
      %dma_wait3A_85 = tpu.memref_slice %arg3[%add3A_37, %dma_wait3A_83, %dma_wait3A_84] : memref<128x196x768xf32, #tpu.memory_space<hbm>> -> memref<1x192x768xf32, #tpu.memory_space<hbm>>
      %dma_wait3A_86 = tpu.memref_squeeze %dma_wait3A_85 : memref<1x192x768xf32, #tpu.memory_space<hbm>> -> memref<192x768xf32, #tpu.memory_space<hbm>>
      tpu.wait_dma2 semaphore(%run_scoped3A_70 : memref<!tpu.dma_semaphore, #tpu.memory_space<semaphore_mem>>) src(%dma_wait3A_86 : memref<192x768xf32, #tpu.memory_space<hbm>>) dst(%dma_wait3A_82 : memref<192x768xf32, #tpu.memory_space<hbm>>)
      tpu.yield
    }) : () -> ()
    %run_scoped3A_44 = arith.constant 192 : i32
    %run_scoped3A_45 = arith.constant 232 : i32
    "tpu.region"() ({
      %run_scoped3A_70 = tpu.sem_alloc : memref<!tpu.dma_semaphore, #tpu.memory_space<semaphore_mem>>
      %dma_start3A_71 = arith.constant 0 : i32
      %dma_start3A_72 = tpu.memref_slice %arg5[%add3A_37, %run_scoped3A_45, %dma_start3A_71] : memref<128x236x768xf32, #tpu.memory_space<hbm>> -> memref<1x1x768xf32, #tpu.memory_space<hbm>>
      %dma_start3A_73 = tpu.memref_squeeze %dma_start3A_72 : memref<1x1x768xf32, #tpu.memory_space<hbm>> -> memref<768xf32, #tpu.memory_space<hbm>>
      %dma_start3A_74 = arith.constant 0 : i32
      %dma_start3A_75 = tpu.memref_slice %arg3[%add3A_37, %run_scoped3A_44, %dma_start3A_74] : memref<128x196x768xf32, #tpu.memory_space<hbm>> -> memref<1x1x768xf32, #tpu.memory_space<hbm>>
      %dma_start3A_76 = tpu.memref_squeeze %dma_start3A_75 : memref<1x1x768xf32, #tpu.memory_space<hbm>> -> memref<768xf32, #tpu.memory_space<hbm>>
      tpu.enqueue_dma source(%dma_start3A_76 : memref<768xf32, #tpu.memory_space<hbm>>) target(%dma_start3A_73 : memref<768xf32, #tpu.memory_space<hbm>>) target_semaphore(%run_scoped3A_70 : memref<!tpu.dma_semaphore, #tpu.memory_space<semaphore_mem>>)
      %dma_wait3A_77 = arith.constant 0 : i32
      %dma_wait3A_78 = tpu.memref_slice %arg5[%add3A_37, %run_scoped3A_45, %dma_wait3A_77] : memref<128x236x768xf32, #tpu.memory_space<hbm>> -> memref<1x1x768xf32, #tpu.memory_space<hbm>>
      %dma_wait3A_79 = tpu.memref_squeeze %dma_wait3A_78 : memref<1x1x768xf32, #tpu.memory_space<hbm>> -> memref<768xf32, #tpu.memory_space<hbm>>
      %dma_wait3A_80 = arith.constant 0 : i32
      %dma_wait3A_81 = tpu.memref_slice %arg3[%add3A_37, %run_scoped3A_44, %dma_wait3A_80] : memref<128x196x768xf32, #tpu.memory_space<hbm>> -> memref<1x1x768xf32, #tpu.memory_space<hbm>>
      %dma_wait3A_82 = tpu.memref_squeeze %dma_wait3A_81 : memref<1x1x768xf32, #tpu.memory_space<hbm>> -> memref<768xf32, #tpu.memory_space<hbm>>
      tpu.wait_dma2 semaphore(%run_scoped3A_70 : memref<!tpu.dma_semaphore, #tpu.memory_space<semaphore_mem>>) src(%dma_wait3A_82 : memref<768xf32, #tpu.memory_space<hbm>>) dst(%dma_wait3A_79 : memref<768xf32, #tpu.memory_space<hbm>>)
      tpu.yield
    }) : () -> ()
    %run_scoped3A_46 = arith.constant 193 : i32
    %run_scoped3A_47 = arith.constant 233 : i32
    "tpu.region"() ({
      %run_scoped3A_70 = tpu.sem_alloc : memref<!tpu.dma_semaphore, #tpu.memory_space<semaphore_mem>>
      %dma_start3A_71 = arith.constant 0 : i32
      %dma_start3A_72 = tpu.memref_slice %arg5[%add3A_37, %run_scoped3A_47, %dma_start3A_71] : memref<128x236x768xf32, #tpu.memory_space<hbm>> -> memref<1x1x768xf32, #tpu.memory_space<hbm>>
      %dma_start3A_73 = tpu.memref_squeeze %dma_start3A_72 : memref<1x1x768xf32, #tpu.memory_space<hbm>> -> memref<768xf32, #tpu.memory_space<hbm>>
      %dma_start3A_74 = arith.constant 0 : i32
      %dma_start3A_75 = tpu.memref_slice %arg3[%add3A_37, %run_scoped3A_46, %dma_start3A_74] : memref<128x196x768xf32, #tpu.memory_space<hbm>> -> memref<1x1x768xf32, #tpu.memory_space<hbm>>
      %dma_start3A_76 = tpu.memref_squeeze %dma_start3A_75 : memref<1x1x768xf32, #tpu.memory_space<hbm>> -> memref<768xf32, #tpu.memory_space<hbm>>
      tpu.enqueue_dma source(%dma_start3A_76 : memref<768xf32, #tpu.memory_space<hbm>>) target(%dma_start3A_73 : memref<768xf32, #tpu.memory_space<hbm>>) target_semaphore(%run_scoped3A_70 : memref<!tpu.dma_semaphore, #tpu.memory_space<semaphore_mem>>)
      %dma_wait3A_77 = arith.constant 0 : i32
      %dma_wait3A_78 = tpu.memref_slice %arg5[%add3A_37, %run_scoped3A_47, %dma_wait3A_77] : memref<128x236x768xf32, #tpu.memory_space<hbm>> -> memref<1x1x768xf32, #tpu.memory_space<hbm>>
      %dma_wait3A_79 = tpu.memref_squeeze %dma_wait3A_78 : memref<1x1x768xf32, #tpu.memory_space<hbm>> -> memref<768xf32, #tpu.memory_space<hbm>>
      %dma_wait3A_80 = arith.constant 0 : i32
      %dma_wait3A_81 = tpu.memref_slice %arg3[%add3A_37, %run_scoped3A_46, %dma_wait3A_80] : memref<128x196x768xf32, #tpu.memory_space<hbm>> -> memref<1x1x768xf32, #tpu.memory_space<hbm>>
      %dma_wait3A_82 = tpu.memref_squeeze %dma_wait3A_81 : memref<1x1x768xf32, #tpu.memory_space<hbm>> -> memref<768xf32, #tpu.memory_space<hbm>>
      tpu.wait_dma2 semaphore(%run_scoped3A_70 : memref<!tpu.dma_semaphore, #tpu.memory_space<semaphore_mem>>) src(%dma_wait3A_82 : memref<768xf32, #tpu.memory_space<hbm>>) dst(%dma_wait3A_79 : memref<768xf32, #tpu.memory_space<hbm>>)
      tpu.yield
    }) : () -> ()
    %run_scoped3A_48 = arith.constant 194 : i32
    %run_scoped3A_49 = arith.constant 234 : i32
    "tpu.region"() ({
      %run_scoped3A_70 = tpu.sem_alloc : memref<!tpu.dma_semaphore, #tpu.memory_space<semaphore_mem>>
      %dma_start3A_71 = arith.constant 0 : i32
      %dma_start3A_72 = tpu.memref_slice %arg5[%add3A_37, %run_scoped3A_49, %dma_start3A_71] : memref<128x236x768xf32, #tpu.memory_space<hbm>> -> memref<1x1x768xf32, #tpu.memory_space<hbm>>
      %dma_start3A_73 = tpu.memref_squeeze %dma_start3A_72 : memref<1x1x768xf32, #tpu.memory_space<hbm>> -> memref<768xf32, #tpu.memory_space<hbm>>
      %dma_start3A_74 = arith.constant 0 : i32
      %dma_start3A_75 = tpu.memref_slice %arg3[%add3A_37, %run_scoped3A_48, %dma_start3A_74] : memref<128x196x768xf32, #tpu.memory_space<hbm>> -> memref<1x1x768xf32, #tpu.memory_space<hbm>>
      %dma_start3A_76 = tpu.memref_squeeze %dma_start3A_75 : memref<1x1x768xf32, #tpu.memory_space<hbm>> -> memref<768xf32, #tpu.memory_space<hbm>>
      tpu.enqueue_dma source(%dma_start3A_76 : memref<768xf32, #tpu.memory_space<hbm>>) target(%dma_start3A_73 : memref<768xf32, #tpu.memory_space<hbm>>) target_semaphore(%run_scoped3A_70 : memref<!tpu.dma_semaphore, #tpu.memory_space<semaphore_mem>>)
      %dma_wait3A_77 = arith.constant 0 : i32
      %dma_wait3A_78 = tpu.memref_slice %arg5[%add3A_37, %run_scoped3A_49, %dma_wait3A_77] : memref<128x236x768xf32, #tpu.memory_space<hbm>> -> memref<1x1x768xf32, #tpu.memory_space<hbm>>
      %dma_wait3A_79 = tpu.memref_squeeze %dma_wait3A_78 : memref<1x1x768xf32, #tpu.memory_space<hbm>> -> memref<768xf32, #tpu.memory_space<hbm>>
      %dma_wait3A_80 = arith.constant 0 : i32
      %dma_wait3A_81 = tpu.memref_slice %arg3[%add3A_37, %run_scoped3A_48, %dma_wait3A_80] : memref<128x196x768xf32, #tpu.memory_space<hbm>> -> memref<1x1x768xf32, #tpu.memory_space<hbm>>
      %dma_wait3A_82 = tpu.memref_squeeze %dma_wait3A_81 : memref<1x1x768xf32, #tpu.memory_space<hbm>> -> memref<768xf32, #tpu.memory_space<hbm>>
      tpu.wait_dma2 semaphore(%run_scoped3A_70 : memref<!tpu.dma_semaphore, #tpu.memory_space<semaphore_mem>>) src(%dma_wait3A_82 : memref<768xf32, #tpu.memory_space<hbm>>) dst(%dma_wait3A_79 : memref<768xf32, #tpu.memory_space<hbm>>)
      tpu.yield
    }) : () -> ()
    %run_scoped3A_50 = arith.constant 195 : i32
    %run_scoped3A_51 = arith.constant 235 : i32
    "tpu.region"() ({
      %run_scoped3A_70 = tpu.sem_alloc : memref<!tpu.dma_semaphore, #tpu.memory_space<semaphore_mem>>
      %dma_start3A_71 = arith.constant 0 : i32
      %dma_start3A_72 = tpu.memref_slice %arg5[%add3A_37, %run_scoped3A_51, %dma_start3A_71] : memref<128x236x768xf32, #tpu.memory_space<hbm>> -> memref<1x1x768xf32, #tpu.memory_space<hbm>>
      %dma_start3A_73 = tpu.memref_squeeze %dma_start3A_72 : memref<1x1x768xf32, #tpu.memory_space<hbm>> -> memref<768xf32, #tpu.memory_space<hbm>>
      %dma_start3A_74 = arith.constant 0 : i32
      %dma_start3A_75 = tpu.memref_slice %arg3[%add3A_37, %run_scoped3A_50, %dma_start3A_74] : memref<128x196x768xf32, #tpu.memory_space<hbm>> -> memref<1x1x768xf32, #tpu.memory_space<hbm>>
      %dma_start3A_76 = tpu.memref_squeeze %dma_start3A_75 : memref<1x1x768xf32, #tpu.memory_space<hbm>> -> memref<768xf32, #tpu.memory_space<hbm>>
      tpu.enqueue_dma source(%dma_start3A_76 : memref<768xf32, #tpu.memory_space<hbm>>) target(%dma_start3A_73 : memref<768xf32, #tpu.memory_space<hbm>>) target_semaphore(%run_scoped3A_70 : memref<!tpu.dma_semaphore, #tpu.memory_space<semaphore_mem>>)
      %dma_wait3A_77 = arith.constant 0 : i32
      %dma_wait3A_78 = tpu.memref_slice %arg5[%add3A_37, %run_scoped3A_51, %dma_wait3A_77] : memref<128x236x768xf32, #tpu.memory_space<hbm>> -> memref<1x1x768xf32, #tpu.memory_space<hbm>>
      %dma_wait3A_79 = tpu.memref_squeeze %dma_wait3A_78 : memref<1x1x768xf32, #tpu.memory_space<hbm>> -> memref<768xf32, #tpu.memory_space<hbm>>
      %dma_wait3A_80 = arith.constant 0 : i32
      %dma_wait3A_81 = tpu.memref_slice %arg3[%add3A_37, %run_scoped3A_50, %dma_wait3A_80] : memref<128x196x768xf32, #tpu.memory_space<hbm>> -> memref<1x1x768xf32, #tpu.memory_space<hbm>>
      %dma_wait3A_82 = tpu.memref_squeeze %dma_wait3A_81 : memref<1x1x768xf32, #tpu.memory_space<hbm>> -> memref<768xf32, #tpu.memory_space<hbm>>
      tpu.wait_dma2 semaphore(%run_scoped3A_70 : memref<!tpu.dma_semaphore, #tpu.memory_space<semaphore_mem>>) src(%dma_wait3A_82 : memref<768xf32, #tpu.memory_space<hbm>>) dst(%dma_wait3A_79 : memref<768xf32, #tpu.memory_space<hbm>>)
      tpu.yield
    }) : () -> ()
    %mul3A_52 = arith.constant 4 : i32
    %mul3A_53 = arith.muli %add3A, %mul3A_52 : i32
    %add3A_54 = arith.constant 3 : i32
    %add3A_55 = arith.addi %mul3A_53, %add3A_54 : i32
    "tpu.region"() ({
      %run_scoped3A_70 = tpu.sem_alloc : memref<!tpu.dma_semaphore, #tpu.memory_space<semaphore_mem>>
      %dma_start3A_71 = arith.constant 0 : i32
      %dma_start3A_72 = tpu.memref_slice %arg4[%add3A_55, %dma_start3A_71] : memref<128x40xi32, #tpu.memory_space<hbm>> -> memref<1x40xi32, #tpu.memory_space<hbm>>
      %dma_start3A_73 = tpu.memref_squeeze %dma_start3A_72 : memref<1x40xi32, #tpu.memory_space<hbm>> -> memref<40xi32, #tpu.memory_space<hbm>>
      %dma_start3A_74 = arith.constant 0 : i32
      %dma_start3A_75 = tpu.memref_slice %arg4[%add3A_55, %dma_start3A_74] : memref<128x40xi32, #tpu.memory_space<hbm>> -> memref<1x40xi32, #tpu.memory_space<hbm>>
      %dma_start3A_76 = tpu.memref_squeeze %dma_start3A_75 : memref<1x40xi32, #tpu.memory_space<hbm>> -> memref<40xi32, #tpu.memory_space<hbm>>
      tpu.enqueue_dma source(%dma_start3A_76 : memref<40xi32, #tpu.memory_space<hbm>>) target(%arg6 : memref<40xi32, #tpu.memory_space<vmem>>) target_semaphore(%run_scoped3A_70 : memref<!tpu.dma_semaphore, #tpu.memory_space<semaphore_mem>>)
      %dma_wait3A_77 = arith.constant 0 : i32
      %dma_wait3A_78 = tpu.memref_slice %arg4[%add3A_55, %dma_wait3A_77] : memref<128x40xi32, #tpu.memory_space<hbm>> -> memref<1x40xi32, #tpu.memory_space<hbm>>
      %dma_wait3A_79 = tpu.memref_squeeze %dma_wait3A_78 : memref<1x40xi32, #tpu.memory_space<hbm>> -> memref<40xi32, #tpu.memory_space<hbm>>
      %dma_wait3A_80 = arith.constant 0 : i32
      %dma_wait3A_81 = tpu.memref_slice %arg4[%add3A_55, %dma_wait3A_80] : memref<128x40xi32, #tpu.memory_space<hbm>> -> memref<1x40xi32, #tpu.memory_space<hbm>>
      %dma_wait3A_82 = tpu.memref_squeeze %dma_wait3A_81 : memref<1x40xi32, #tpu.memory_space<hbm>> -> memref<40xi32, #tpu.memory_space<hbm>>
      tpu.wait_dma2 semaphore(%run_scoped3A_70 : memref<!tpu.dma_semaphore, #tpu.memory_space<semaphore_mem>>) src(%dma_wait3A_82 : memref<40xi32, #tpu.memory_space<hbm>>) dst(%arg6 : memref<40xi32, #tpu.memory_space<vmem>>)
      tpu.yield
    }) : () -> ()
    %dma_start3A_56 = arith.constant 0 : i32
    %dma_start3A_57 = arith.constant 0 : i32
    %dma_start3A_58 = tpu.memref_slice %arg2[%dma_start3A_56, %dma_start3A_57] : memref<40960x768xf32, #tpu.memory_space<hbm>> -> memref<40960x768xf32, #tpu.memory_space<hbm>>
    tpu.enqueue_indirect_dma source(%dma_start3A_58 : memref<40960x768xf32, #tpu.memory_space<hbm>>) target(%arg7 : memref<40x768xf32, #tpu.memory_space<vmem>>) offsets(%arg6 : memref<40xi32, #tpu.memory_space<vmem>>) semaphore(%arg8 : memref<!tpu.dma_semaphore, #tpu.memory_space<semaphore_mem>>)
    %dma_wait3A_59 = arith.constant 0 : i32
    %dma_wait3A_60 = arith.constant 0 : i32
    %dma_wait3A_61 = tpu.memref_slice %arg2[%dma_wait3A_59, %dma_wait3A_60] : memref<40960x768xf32, #tpu.memory_space<hbm>> -> memref<40960x768xf32, #tpu.memory_space<hbm>>
    tpu.wait_indirect_dma semaphore(%arg8 : memref<!tpu.dma_semaphore, #tpu.memory_space<semaphore_mem>>) src(%dma_wait3A_61 : memref<40960x768xf32, #tpu.memory_space<hbm>>) dst(%arg7 : memref<40x768xf32, #tpu.memory_space<vmem>>)
    "tpu.region"() ({
      %run_scoped3A_70 = tpu.sem_alloc : memref<!tpu.dma_semaphore, #tpu.memory_space<semaphore_mem>>
      %dma_start3A_71 = arith.constant 0 : i32
      %dma_start3A_72 = arith.constant 0 : i32
      %dma_start3A_73 = tpu.memref_slice %arg5[%add3A_55, %dma_start3A_71, %dma_start3A_72] : memref<128x236x768xf32, #tpu.memory_space<hbm>> -> memref<1x40x768xf32, #tpu.memory_space<hbm>>
      %dma_start3A_74 = tpu.memref_squeeze %dma_start3A_73 : memref<1x40x768xf32, #tpu.memory_space<hbm>> -> memref<40x768xf32, #tpu.memory_space<hbm>>
      %dma_start3A_75 = arith.constant 0 : i32
      %dma_start3A_76 = arith.constant 0 : i32
      %dma_start3A_77 = tpu.memref_slice %arg5[%add3A_55, %dma_start3A_75, %dma_start3A_76] : memref<128x236x768xf32, #tpu.memory_space<hbm>> -> memref<1x40x768xf32, #tpu.memory_space<hbm>>
      %dma_start3A_78 = tpu.memref_squeeze %dma_start3A_77 : memref<1x40x768xf32, #tpu.memory_space<hbm>> -> memref<40x768xf32, #tpu.memory_space<hbm>>
      tpu.enqueue_dma source(%arg7 : memref<40x768xf32, #tpu.memory_space<vmem>>) target(%dma_start3A_78 : memref<40x768xf32, #tpu.memory_space<hbm>>) target_semaphore(%run_scoped3A_70 : memref<!tpu.dma_semaphore, #tpu.memory_space<semaphore_mem>>)
      %dma_wait3A_79 = arith.constant 0 : i32
      %dma_wait3A_80 = arith.constant 0 : i32
      %dma_wait3A_81 = tpu.memref_slice %arg5[%add3A_55, %dma_wait3A_79, %dma_wait3A_80] : memref<128x236x768xf32, #tpu.memory_space<hbm>> -> memref<1x40x768xf32, #tpu.memory_space<hbm>>
      %dma_wait3A_82 = tpu.memref_squeeze %dma_wait3A_81 : memref<1x40x768xf32, #tpu.memory_space<hbm>> -> memref<40x768xf32, #tpu.memory_space<hbm>>
      %dma_wait3A_83 = arith.constant 0 : i32
      %dma_wait3A_84 = arith.constant 0 : i32
      %dma_wait3A_85 = tpu.memref_slice %arg5[%add3A_55, %dma_wait3A_83, %dma_wait3A_84] : memref<128x236x768xf32, #tpu.memory_space<hbm>> -> memref<1x40x768xf32, #tpu.memory_space<hbm>>
      %dma_wait3A_86 = tpu.memref_squeeze %dma_wait3A_85 : memref<1x40x768xf32, #tpu.memory_space<hbm>> -> memref<40x768xf32, #tpu.memory_space<hbm>>
      tpu.wait_dma2 semaphore(%run_scoped3A_70 : memref<!tpu.dma_semaphore, #tpu.memory_space<semaphore_mem>>) src(%arg7 : memref<40x768xf32, #tpu.memory_space<vmem>>) dst(%dma_wait3A_86 : memref<40x768xf32, #tpu.memory_space<hbm>>)
      tpu.yield
    }) : () -> ()
    "tpu.region"() ({
      %run_scoped3A_70 = tpu.sem_alloc : memref<!tpu.dma_semaphore, #tpu.memory_space<semaphore_mem>>
      %dma_start3A_71 = arith.constant 40 : i32
      %dma_start3A_72 = arith.constant 0 : i32
      %dma_start3A_73 = tpu.memref_slice %arg5[%add3A_55, %dma_start3A_71, %dma_start3A_72] : memref<128x236x768xf32, #tpu.memory_space<hbm>> -> memref<1x192x768xf32, #tpu.memory_space<hbm>>
      %dma_start3A_74 = tpu.memref_squeeze %dma_start3A_73 : memref<1x192x768xf32, #tpu.memory_space<hbm>> -> memref<192x768xf32, #tpu.memory_space<hbm>>
      %dma_start3A_75 = arith.constant 0 : i32
      %dma_start3A_76 = arith.constant 0 : i32
      %dma_start3A_77 = tpu.memref_slice %arg3[%add3A_55, %dma_start3A_75, %dma_start3A_76] : memref<128x196x768xf32, #tpu.memory_space<hbm>> -> memref<1x192x768xf32, #tpu.memory_space<hbm>>
      %dma_start3A_78 = tpu.memref_squeeze %dma_start3A_77 : memref<1x192x768xf32, #tpu.memory_space<hbm>> -> memref<192x768xf32, #tpu.memory_space<hbm>>
      tpu.enqueue_dma source(%dma_start3A_78 : memref<192x768xf32, #tpu.memory_space<hbm>>) target(%dma_start3A_74 : memref<192x768xf32, #tpu.memory_space<hbm>>) target_semaphore(%run_scoped3A_70 : memref<!tpu.dma_semaphore, #tpu.memory_space<semaphore_mem>>)
      %dma_wait3A_79 = arith.constant 40 : i32
      %dma_wait3A_80 = arith.constant 0 : i32
      %dma_wait3A_81 = tpu.memref_slice %arg5[%add3A_55, %dma_wait3A_79, %dma_wait3A_80] : memref<128x236x768xf32, #tpu.memory_space<hbm>> -> memref<1x192x768xf32, #tpu.memory_space<hbm>>
      %dma_wait3A_82 = tpu.memref_squeeze %dma_wait3A_81 : memref<1x192x768xf32, #tpu.memory_space<hbm>> -> memref<192x768xf32, #tpu.memory_space<hbm>>
      %dma_wait3A_83 = arith.constant 0 : i32
      %dma_wait3A_84 = arith.constant 0 : i32
      %dma_wait3A_85 = tpu.memref_slice %arg3[%add3A_55, %dma_wait3A_83, %dma_wait3A_84] : memref<128x196x768xf32, #tpu.memory_space<hbm>> -> memref<1x192x768xf32, #tpu.memory_space<hbm>>
      %dma_wait3A_86 = tpu.memref_squeeze %dma_wait3A_85 : memref<1x192x768xf32, #tpu.memory_space<hbm>> -> memref<192x768xf32, #tpu.memory_space<hbm>>
      tpu.wait_dma2 semaphore(%run_scoped3A_70 : memref<!tpu.dma_semaphore, #tpu.memory_space<semaphore_mem>>) src(%dma_wait3A_86 : memref<192x768xf32, #tpu.memory_space<hbm>>) dst(%dma_wait3A_82 : memref<192x768xf32, #tpu.memory_space<hbm>>)
      tpu.yield
    }) : () -> ()
    %run_scoped3A_62 = arith.constant 192 : i32
    %run_scoped3A_63 = arith.constant 232 : i32
    "tpu.region"() ({
      %run_scoped3A_70 = tpu.sem_alloc : memref<!tpu.dma_semaphore, #tpu.memory_space<semaphore_mem>>
      %dma_start3A_71 = arith.constant 0 : i32
      %dma_start3A_72 = tpu.memref_slice %arg5[%add3A_55, %run_scoped3A_63, %dma_start3A_71] : memref<128x236x768xf32, #tpu.memory_space<hbm>> -> memref<1x1x768xf32, #tpu.memory_space<hbm>>
      %dma_start3A_73 = tpu.memref_squeeze %dma_start3A_72 : memref<1x1x768xf32, #tpu.memory_space<hbm>> -> memref<768xf32, #tpu.memory_space<hbm>>
      %dma_start3A_74 = arith.constant 0 : i32
      %dma_start3A_75 = tpu.memref_slice %arg3[%add3A_55, %run_scoped3A_62, %dma_start3A_74] : memref<128x196x768xf32, #tpu.memory_space<hbm>> -> memref<1x1x768xf32, #tpu.memory_space<hbm>>
      %dma_start3A_76 = tpu.memref_squeeze %dma_start3A_75 : memref<1x1x768xf32, #tpu.memory_space<hbm>> -> memref<768xf32, #tpu.memory_space<hbm>>
      tpu.enqueue_dma source(%dma_start3A_76 : memref<768xf32, #tpu.memory_space<hbm>>) target(%dma_start3A_73 : memref<768xf32, #tpu.memory_space<hbm>>) target_semaphore(%run_scoped3A_70 : memref<!tpu.dma_semaphore, #tpu.memory_space<semaphore_mem>>)
      %dma_wait3A_77 = arith.constant 0 : i32
      %dma_wait3A_78 = tpu.memref_slice %arg5[%add3A_55, %run_scoped3A_63, %dma_wait3A_77] : memref<128x236x768xf32, #tpu.memory_space<hbm>> -> memref<1x1x768xf32, #tpu.memory_space<hbm>>
      %dma_wait3A_79 = tpu.memref_squeeze %dma_wait3A_78 : memref<1x1x768xf32, #tpu.memory_space<hbm>> -> memref<768xf32, #tpu.memory_space<hbm>>
      %dma_wait3A_80 = arith.constant 0 : i32
      %dma_wait3A_81 = tpu.memref_slice %arg3[%add3A_55, %run_scoped3A_62, %dma_wait3A_80] : memref<128x196x768xf32, #tpu.memory_space<hbm>> -> memref<1x1x768xf32, #tpu.memory_space<hbm>>
      %dma_wait3A_82 = tpu.memref_squeeze %dma_wait3A_81 : memref<1x1x768xf32, #tpu.memory_space<hbm>> -> memref<768xf32, #tpu.memory_space<hbm>>
      tpu.wait_dma2 semaphore(%run_scoped3A_70 : memref<!tpu.dma_semaphore, #tpu.memory_space<semaphore_mem>>) src(%dma_wait3A_82 : memref<768xf32, #tpu.memory_space<hbm>>) dst(%dma_wait3A_79 : memref<768xf32, #tpu.memory_space<hbm>>)
      tpu.yield
    }) : () -> ()
    %run_scoped3A_64 = arith.constant 193 : i32
    %run_scoped3A_65 = arith.constant 233 : i32
    "tpu.region"() ({
      %run_scoped3A_70 = tpu.sem_alloc : memref<!tpu.dma_semaphore, #tpu.memory_space<semaphore_mem>>
      %dma_start3A_71 = arith.constant 0 : i32
      %dma_start3A_72 = tpu.memref_slice %arg5[%add3A_55, %run_scoped3A_65, %dma_start3A_71] : memref<128x236x768xf32, #tpu.memory_space<hbm>> -> memref<1x1x768xf32, #tpu.memory_space<hbm>>
      %dma_start3A_73 = tpu.memref_squeeze %dma_start3A_72 : memref<1x1x768xf32, #tpu.memory_space<hbm>> -> memref<768xf32, #tpu.memory_space<hbm>>
      %dma_start3A_74 = arith.constant 0 : i32
      %dma_start3A_75 = tpu.memref_slice %arg3[%add3A_55, %run_scoped3A_64, %dma_start3A_74] : memref<128x196x768xf32, #tpu.memory_space<hbm>> -> memref<1x1x768xf32, #tpu.memory_space<hbm>>
      %dma_start3A_76 = tpu.memref_squeeze %dma_start3A_75 : memref<1x1x768xf32, #tpu.memory_space<hbm>> -> memref<768xf32, #tpu.memory_space<hbm>>
      tpu.enqueue_dma source(%dma_start3A_76 : memref<768xf32, #tpu.memory_space<hbm>>) target(%dma_start3A_73 : memref<768xf32, #tpu.memory_space<hbm>>) target_semaphore(%run_scoped3A_70 : memref<!tpu.dma_semaphore, #tpu.memory_space<semaphore_mem>>)
      %dma_wait3A_77 = arith.constant 0 : i32
      %dma_wait3A_78 = tpu.memref_slice %arg5[%add3A_55, %run_scoped3A_65, %dma_wait3A_77] : memref<128x236x768xf32, #tpu.memory_space<hbm>> -> memref<1x1x768xf32, #tpu.memory_space<hbm>>
      %dma_wait3A_79 = tpu.memref_squeeze %dma_wait3A_78 : memref<1x1x768xf32, #tpu.memory_space<hbm>> -> memref<768xf32, #tpu.memory_space<hbm>>
      %dma_wait3A_80 = arith.constant 0 : i32
      %dma_wait3A_81 = tpu.memref_slice %arg3[%add3A_55, %run_scoped3A_64, %dma_wait3A_80] : memref<128x196x768xf32, #tpu.memory_space<hbm>> -> memref<1x1x768xf32, #tpu.memory_space<hbm>>
      %dma_wait3A_82 = tpu.memref_squeeze %dma_wait3A_81 : memref<1x1x768xf32, #tpu.memory_space<hbm>> -> memref<768xf32, #tpu.memory_space<hbm>>
      tpu.wait_dma2 semaphore(%run_scoped3A_70 : memref<!tpu.dma_semaphore, #tpu.memory_space<semaphore_mem>>) src(%dma_wait3A_82 : memref<768xf32, #tpu.memory_space<hbm>>) dst(%dma_wait3A_79 : memref<768xf32, #tpu.memory_space<hbm>>)
      tpu.yield
    }) : () -> ()
    %run_scoped3A_66 = arith.constant 194 : i32
    %run_scoped3A_67 = arith.constant 234 : i32
    "tpu.region"() ({
      %run_scoped3A_70 = tpu.sem_alloc : memref<!tpu.dma_semaphore, #tpu.memory_space<semaphore_mem>>
      %dma_start3A_71 = arith.constant 0 : i32
      %dma_start3A_72 = tpu.memref_slice %arg5[%add3A_55, %run_scoped3A_67, %dma_start3A_71] : memref<128x236x768xf32, #tpu.memory_space<hbm>> -> memref<1x1x768xf32, #tpu.memory_space<hbm>>
      %dma_start3A_73 = tpu.memref_squeeze %dma_start3A_72 : memref<1x1x768xf32, #tpu.memory_space<hbm>> -> memref<768xf32, #tpu.memory_space<hbm>>
      %dma_start3A_74 = arith.constant 0 : i32
      %dma_start3A_75 = tpu.memref_slice %arg3[%add3A_55, %run_scoped3A_66, %dma_start3A_74] : memref<128x196x768xf32, #tpu.memory_space<hbm>> -> memref<1x1x768xf32, #tpu.memory_space<hbm>>
      %dma_start3A_76 = tpu.memref_squeeze %dma_start3A_75 : memref<1x1x768xf32, #tpu.memory_space<hbm>> -> memref<768xf32, #tpu.memory_space<hbm>>
      tpu.enqueue_dma source(%dma_start3A_76 : memref<768xf32, #tpu.memory_space<hbm>>) target(%dma_start3A_73 : memref<768xf32, #tpu.memory_space<hbm>>) target_semaphore(%run_scoped3A_70 : memref<!tpu.dma_semaphore, #tpu.memory_space<semaphore_mem>>)
      %dma_wait3A_77 = arith.constant 0 : i32
      %dma_wait3A_78 = tpu.memref_slice %arg5[%add3A_55, %run_scoped3A_67, %dma_wait3A_77] : memref<128x236x768xf32, #tpu.memory_space<hbm>> -> memref<1x1x768xf32, #tpu.memory_space<hbm>>
      %dma_wait3A_79 = tpu.memref_squeeze %dma_wait3A_78 : memref<1x1x768xf32, #tpu.memory_space<hbm>> -> memref<768xf32, #tpu.memory_space<hbm>>
      %dma_wait3A_80 = arith.constant 0 : i32
      %dma_wait3A_81 = tpu.memref_slice %arg3[%add3A_55, %run_scoped3A_66, %dma_wait3A_80] : memref<128x196x768xf32, #tpu.memory_space<hbm>> -> memref<1x1x768xf32, #tpu.memory_space<hbm>>
      %dma_wait3A_82 = tpu.memref_squeeze %dma_wait3A_81 : memref<1x1x768xf32, #tpu.memory_space<hbm>> -> memref<768xf32, #tpu.memory_space<hbm>>
      tpu.wait_dma2 semaphore(%run_scoped3A_70 : memref<!tpu.dma_semaphore, #tpu.memory_space<semaphore_mem>>) src(%dma_wait3A_82 : memref<768xf32, #tpu.memory_space<hbm>>) dst(%dma_wait3A_79 : memref<768xf32, #tpu.memory_space<hbm>>)
      tpu.yield
    }) : () -> ()
    %run_scoped3A_68 = arith.constant 195 : i32
    %run_scoped3A_69 = arith.constant 235 : i32
    "tpu.region"() ({
      %run_scoped3A_70 = tpu.sem_alloc : memref<!tpu.dma_semaphore, #tpu.memory_space<semaphore_mem>>
      %dma_start3A_71 = arith.constant 0 : i32
      %dma_start3A_72 = tpu.memref_slice %arg5[%add3A_55, %run_scoped3A_69, %dma_start3A_71] : memref<128x236x768xf32, #tpu.memory_space<hbm>> -> memref<1x1x768xf32, #tpu.memory_space<hbm>>
      %dma_start3A_73 = tpu.memref_squeeze %dma_start3A_72 : memref<1x1x768xf32, #tpu.memory_space<hbm>> -> memref<768xf32, #tpu.memory_space<hbm>>
      %dma_start3A_74 = arith.constant 0 : i32
      %dma_start3A_75 = tpu.memref_slice %arg3[%add3A_55, %run_scoped3A_68, %dma_start3A_74] : memref<128x196x768xf32, #tpu.memory_space<hbm>> -> memref<1x1x768xf32, #tpu.memory_space<hbm>>
      %dma_start3A_76 = tpu.memref_squeeze %dma_start3A_75 : memref<1x1x768xf32, #tpu.memory_space<hbm>> -> memref<768xf32, #tpu.memory_space<hbm>>
      tpu.enqueue_dma source(%dma_start3A_76 : memref<768xf32, #tpu.memory_space<hbm>>) target(%dma_start3A_73 : memref<768xf32, #tpu.memory_space<hbm>>) target_semaphore(%run_scoped3A_70 : memref<!tpu.dma_semaphore, #tpu.memory_space<semaphore_mem>>)
      %dma_wait3A_77 = arith.constant 0 : i32
      %dma_wait3A_78 = tpu.memref_slice %arg5[%add3A_55, %run_scoped3A_69, %dma_wait3A_77] : memref<128x236x768xf32, #tpu.memory_space<hbm>> -> memref<1x1x768xf32, #tpu.memory_space<hbm>>
      %dma_wait3A_79 = tpu.memref_squeeze %dma_wait3A_78 : memref<1x1x768xf32, #tpu.memory_space<hbm>> -> memref<768xf32, #tpu.memory_space<hbm>>
      %dma_wait3A_80 = arith.constant 0 : i32
      %dma_wait3A_81 = tpu.memref_slice %arg3[%add3A_55, %run_scoped3A_68, %dma_wait3A_80] : memref<128x196x768xf32, #tpu.memory_space<hbm>> -> memref<1x1x768xf32, #tpu.memory_space<hbm>>
      %dma_wait3A_82 = tpu.memref_squeeze %dma_wait3A_81 : memref<1x1x768xf32, #tpu.memory_space<hbm>> -> memref<768xf32, #tpu.memory_space<hbm>>
      tpu.wait_dma2 semaphore(%run_scoped3A_70 : memref<!tpu.dma_semaphore, #tpu.memory_space<semaphore_mem>>) src(%dma_wait3A_82 : memref<768xf32, #tpu.memory_space<hbm>>) dst(%dma_wait3A_79 : memref<768xf32, #tpu.memory_space<hbm>>)
      tpu.yield
    }) : () -> ()
    return
  }
}

module attributes {stable_mosaic.version = 14 : i64} {
  func.func @_sum_body(%arg0: i32, %arg1: memref<16x196x768xf32, #tpu.memory_space<vmem>>, %arg2: memref<16x768xf32, #tpu.memory_space<vmem>>) attributes {dimension_semantics = [#tpu.dimension_semantics<arbitrary>], iteration_bounds = array<i64: 8>, scalar_prefetch = 0 : i64, scratch_operands = 0 : i64, tpu.core_type = #tpu.core_type<tc>, window_params = [{transform_indices = @transform_0, window_bounds = array<i64: 16, 196, 768>}, {transform_indices = @transform_1, window_bounds = array<i64: 16, 768>}]} {
    %get3A = arith.constant 0 : index
    %get3A_0 = arith.constant 0 : index
    %get3A_1 = arith.constant 0 : index
    %get3A_2 = vector.load %arg1[%get3A, %get3A_0, %get3A_1] : memref<16x196x768xf32, #tpu.memory_space<vmem>>, vector<16x196x768xf32>
    %reduce_sum3A = arith.constant dense<0.000000e+00> : vector<16x768xf32>
    %reduce_sum3A_3 = vector.multi_reduction <add>, %get3A_2, %reduce_sum3A [1] : vector<16x196x768xf32> to vector<16x768xf32>
    %swap3A = arith.constant 0 : index
    %swap3A_4 = arith.constant 0 : index
    %swap3A_5 = vector.load %arg2[%swap3A, %swap3A_4] : memref<16x768xf32, #tpu.memory_space<vmem>>, vector<16x768xf32>
    tpu.vector_store %arg2[%swap3A, %swap3A_4], %reduce_sum3A_3 {strides = array<i32>} : memref<16x768xf32, #tpu.memory_space<vmem>>, vector<16x768xf32>,
    return
  }
  func.func @transform_0(%arg0: i32) -> (i32, i32, i32) {
    %c0_i32 = arith.constant 0 : i32
    %c0_i32_0 = arith.constant 0 : i32
    %c0_i32_1 = arith.constant 0 : i32
    return %arg0, %c0_i32, %c0_i32_0 : i32, i32, i32
  }
  func.func @transform_1(%arg0: i32) -> (i32, i32) {
    %c0_i32 = arith.constant 0 : i32
    %c0_i32_0 = arith.constant 0 : i32
    return %arg0, %c0_i32 : i32, i32
  }
}

module attributes {stable_mosaic.version = 14 : i64} {
  func.func @_simtopk_body(%arg0: i32, %arg1: memref<128x768xf32, #tpu.memory_space<vmem>>, %arg2: memref<1024x768xf32, #tpu.memory_space<vmem>>, %arg3: memref<128x1024xf32, #tpu.memory_space<vmem>>, %arg4: memref<128x8xi32, #tpu.memory_space<vmem>>, %arg5: memref<1x1xf32, #tpu.memory_space<vmem>>, %arg6: memref<128x128xf32, #tpu.memory_space<vmem>>, %arg7: memref<128x128xi32, #tpu.memory_space<vmem>>) attributes {dimension_semantics = [#tpu.dimension_semantics<arbitrary>], iteration_bounds = array<i64: 8>, scalar_prefetch = 0 : i64, scratch_operands = 2 : i64, tpu.core_type = #tpu.core_type<tc>, window_params = [{pipeline_mode = #tpu.pipeline_mode<synchronous>, transform_indices = @transform_0, window_bounds = array<i64: 128, 768>}, {transform_indices = @transform_1, window_bounds = array<i64: 1024, 768>}, {transform_indices = @transform_2, window_bounds = array<i64: 128, 1024>}, {pipeline_mode = #tpu.pipeline_mode<synchronous>, transform_indices = @transform_3, window_bounds = array<i64: 128, 8>}, {pipeline_mode = #tpu.pipeline_mode<synchronous>, transform_indices = @transform_4, window_bounds = array<i64: 1, 1>}]} {
    %get3A = arith.constant 0 : index
    %get3A_0 = arith.constant 0 : index
    %get3A_1 = vector.load %arg1[%get3A, %get3A_0] : memref<128x768xf32, #tpu.memory_space<vmem>>, vector<128x768xf32>
    %mul3A = arith.constant 0.00510204071 : f32
    %mul3A_2 = vector.broadcast %mul3A : f32 to vector<128x768xf32>
    %mul3A_3 = arith.mulf %get3A_1, %mul3A_2 : vector<128x768xf32>
    %mul3A_4 = arith.mulf %mul3A_3, %mul3A_3 : vector<128x768xf32>
    %reduce_sum3A = arith.constant dense<0.000000e+00> : vector<128xf32>
    %reduce_sum3A_5 = vector.multi_reduction <add>, %mul3A_4, %reduce_sum3A [1] : vector<128x768xf32> to vector<128xf32>
    %broadcast_in_dim3A = vector.shape_cast %reduce_sum3A_5 : vector<128xf32> to vector<128x1xf32>
    %max3A = arith.constant 9.99999996E-13 : f32
    %max3A_6 = vector.broadcast %max3A : f32 to vector<128x1xf32>
    %max3A_7 = arith.maximumf %broadcast_in_dim3A, %max3A_6 : vector<128x1xf32>
    %rsqrt3A = math.rsqrt %max3A_7 : vector<128x1xf32>
    %mul3A_8 = vector.broadcast %rsqrt3A : vector<128x1xf32> to vector<128x768xf32>
    %mul3A_9 = arith.mulf %mul3A_3, %mul3A_8 : vector<128x768xf32>
    %get3A_10 = arith.constant 0 : index
    %get3A_11 = arith.constant 0 : index
    %get3A_12 = vector.load %arg2[%get3A_10, %get3A_11] : memref<1024x768xf32, #tpu.memory_space<vmem>>, vector<1024x768xf32>
    %mul3A_13 = arith.mulf %get3A_12, %get3A_12 : vector<1024x768xf32>
    %reduce_sum3A_14 = arith.constant dense<0.000000e+00> : vector<1024xf32>
    %reduce_sum3A_15 = vector.multi_reduction <add>, %mul3A_13, %reduce_sum3A_14 [1] : vector<1024x768xf32> to vector<1024xf32>
    %broadcast_in_dim3A_16 = vector.shape_cast %reduce_sum3A_15 : vector<1024xf32> to vector<1024x1xf32>
    %max3A_17 = arith.constant 9.99999996E-13 : f32
    %max3A_18 = vector.broadcast %max3A_17 : f32 to vector<1024x1xf32>
    %max3A_19 = arith.maximumf %broadcast_in_dim3A_16, %max3A_18 : vector<1024x1xf32>
    %rsqrt3A_20 = math.rsqrt %max3A_19 : vector<1024x1xf32>
    %mul3A_21 = vector.broadcast %rsqrt3A_20 : vector<1024x1xf32> to vector<1024x768xf32>
    %mul3A_22 = arith.mulf %get3A_12, %mul3A_21 : vector<1024x768xf32>
    %transpose3A = tpu.transpose %mul3A_22, [1, 0] : vector<1024x768xf32> -> vector<768x1024xf32>
    %dot_general3A = arith.constant dense<0.000000e+00> : vector<128x1024xf32>
    %dot_general3A_23 = tpu.matmul %mul3A_9, %transpose3A, %dot_general3A {dimension_numbers = #tpu.dot_dimension_numbers<[1], [0], [0], [1], [0, 0, 1, 1], [], []>, transpose_lhs_hint = false} : vector<128x768xf32>, vector<768x1024xf32>, vector<128x1024xf32> -> vector<128x1024xf32>
    %swap3A = arith.constant 0 : index
    %swap3A_24 = arith.constant 0 : index
    %swap3A_25 = vector.load %arg3[%swap3A, %swap3A_24] : memref<128x1024xf32, #tpu.memory_space<vmem>>, vector<128x1024xf32>
    tpu.vector_store %arg3[%swap3A, %swap3A_24], %dot_general3A_23 {strides = array<i32>} : memref<128x1024xf32, #tpu.memory_space<vmem>>, vector<128x1024xf32>,
    %eq3A = arith.constant 0 : i32
    %eq3A_26 = arith.cmpi eq, %arg0, %eq3A : i32
    %convert_element_type3A = arith.extui %eq3A_26 : i1 to i32
    %cond3A = arith.constant 0 : i32
    %cond3A_27 = arith.cmpi ne, %convert_element_type3A, %cond3A : i32
    scf.if %cond3A_27 {
      %broadcast_in_dim3A_176 = arith.constant 0xFF800000 : f32
      %broadcast_in_dim3A_177 = vector.broadcast %broadcast_in_dim3A_176 : f32 to vector<128x128xf32>
      %swap3A_178 = arith.constant 0 : index
      %swap3A_179 = arith.constant 0 : index
      %swap3A_180 = vector.load %arg6[%swap3A_178, %swap3A_179] : memref<128x128xf32, #tpu.memory_space<vmem>>, vector<128x128xf32>
      tpu.vector_store %arg6[%swap3A_178, %swap3A_179], %broadcast_in_dim3A_177 {strides = array<i32>} : memref<128x128xf32, #tpu.memory_space<vmem>>, vector<128x128xf32>,
      %broadcast_in_dim3A_181 = arith.constant 1073741824 : i32
      %broadcast_in_dim3A_182 = vector.broadcast %broadcast_in_dim3A_181 : i32 to vector<128x128xi32>
      %swap3A_183 = arith.constant 0 : index
      %swap3A_184 = arith.constant 0 : index
      %swap3A_185 = vector.load %arg7[%swap3A_183, %swap3A_184] : memref<128x128xi32, #tpu.memory_space<vmem>>, vector<128x128xi32>
      tpu.vector_store %arg7[%swap3A_183, %swap3A_184], %broadcast_in_dim3A_182 {strides = array<i32>} : memref<128x128xi32, #tpu.memory_space<vmem>>, vector<128x128xi32>,
    } else {
    }
    %mul3A_28 = arith.constant 1024 : i32
    %mul3A_29 = arith.muli %arg0, %mul3A_28 : i32
    %iota3A = tpu.iota {dimensions = array<i32: 1>} : vector<128x1024xi32>
    %add3A = vector.broadcast %mul3A_29 : i32 to vector<128x1024xi32>
    %add3A_30 = arith.addi %add3A, %iota3A : vector<128x1024xi32>
    %get3A_31 = arith.constant 0 : index
    %get3A_32 = arith.constant 0 : index
    %get3A_33 = vector.load %arg6[%get3A_31, %get3A_32] : memref<128x128xf32, #tpu.memory_space<vmem>>, vector<128x128xf32>
    %concatenate3A = tpu.concatenate %get3A_33, %dot_general3A_23 in 1 : vector<128x128xf32>, vector<128x1024xf32> -> vector<128x1152xf32>
    %get3A_34 = arith.constant 0 : index
    %get3A_35 = arith.constant 0 : index
    %get3A_36 = vector.load %arg7[%get3A_34, %get3A_35] : memref<128x128xi32, #tpu.memory_space<vmem>>, vector<128x128xi32>
    %concatenate3A_37 = tpu.concatenate %get3A_36, %add3A_30 in 1 : vector<128x128xi32>, vector<128x1024xi32> -> vector<128x1152xi32>
    %reduce_max3A = arith.constant dense<0xFF800000> : vector<128xf32>
    %reduce_max3A_38 = vector.multi_reduction <maximumf>, %concatenate3A, %reduce_max3A [1] : vector<128x1152xf32> to vector<128xf32>
    %broadcast_in_dim3A_39 = vector.shape_cast %reduce_max3A_38 : vector<128xf32> to vector<128x1xf32>
    %eq3A_40 = vector.broadcast %broadcast_in_dim3A_39 : vector<128x1xf32> to vector<128x1152xf32>
    %eq3A_41 = arith.cmpf oeq, %concatenate3A, %eq3A_40 : vector<128x1152xf32>
    %jit3A = arith.constant 1073741824 : i32
    %broadcast_in_dim3A_42 = vector.broadcast %jit3A : i32 to vector<128x1152xi32>
    %select_n3A = arith.select %eq3A_41, %concatenate3A_37, %broadcast_in_dim3A_42 : vector<128x1152xi1>, vector<128x1152xi32>
    %reduce_min3A = arith.constant dense<2147483647> : vector<128xi32>
    %reduce_min3A_43 = vector.multi_reduction <minsi>, %select_n3A, %reduce_min3A [1] : vector<128x1152xi32> to vector<128xi32>
    %broadcast_in_dim3A_44 = vector.shape_cast %reduce_min3A_43 : vector<128xi32> to vector<128x1xi32>
    %eq3A_45 = vector.broadcast %broadcast_in_dim3A_44 : vector<128x1xi32> to vector<128x1152xi32>
    %eq3A_46 = arith.cmpi eq, %concatenate3A_37, %eq3A_45 : vector<128x1152xi32>
    %jit3A_47 = arith.constant 0xFF800000 : f32
    %broadcast_in_dim3A_48 = vector.broadcast %jit3A_47 : f32 to vector<128x1152xf32>
    %select_n3A_49 = arith.select %eq3A_46, %broadcast_in_dim3A_48, %concatenate3A : vector<128x1152xi1>, vector<128x1152xf32>
    %reduce_max3A_50 = arith.constant dense<0xFF800000> : vector<128xf32>
    %reduce_max3A_51 = vector.multi_reduction <maximumf>, %select_n3A_49, %reduce_max3A_50 [1] : vector<128x1152xf32> to vector<128xf32>
    %broadcast_in_dim3A_52 = vector.shape_cast %reduce_max3A_51 : vector<128xf32> to vector<128x1xf32>
    %eq3A_53 = vector.broadcast %broadcast_in_dim3A_52 : vector<128x1xf32> to vector<128x1152xf32>
    %eq3A_54 = arith.cmpf oeq, %select_n3A_49, %eq3A_53 : vector<128x1152xf32>
    %jit3A_55 = arith.constant 1073741824 : i32
    %broadcast_in_dim3A_56 = vector.broadcast %jit3A_55 : i32 to vector<128x1152xi32>
    %select_n3A_57 = arith.select %eq3A_54, %concatenate3A_37, %broadcast_in_dim3A_56 : vector<128x1152xi1>, vector<128x1152xi32>
    %reduce_min3A_58 = arith.constant dense<2147483647> : vector<128xi32>
    %reduce_min3A_59 = vector.multi_reduction <minsi>, %select_n3A_57, %reduce_min3A_58 [1] : vector<128x1152xi32> to vector<128xi32>
    %broadcast_in_dim3A_60 = vector.shape_cast %reduce_min3A_59 : vector<128xi32> to vector<128x1xi32>
    %eq3A_61 = vector.broadcast %broadcast_in_dim3A_60 : vector<128x1xi32> to vector<128x1152xi32>
    %eq3A_62 = arith.cmpi eq, %concatenate3A_37, %eq3A_61 : vector<128x1152xi32>
    %jit3A_63 = arith.constant 0xFF800000 : f32
    %broadcast_in_dim3A_64 = vector.broadcast %jit3A_63 : f32 to vector<128x1152xf32>
    %select_n3A_65 = arith.select %eq3A_62, %broadcast_in_dim3A_64, %select_n3A_49 : vector<128x1152xi1>, vector<128x1152xf32>
    %reduce_max3A_66 = arith.constant dense<0xFF800000> : vector<128xf32>
    %reduce_max3A_67 = vector.multi_reduction <maximumf>, %select_n3A_65, %reduce_max3A_66 [1] : vector<128x1152xf32> to vector<128xf32>
    %broadcast_in_dim3A_68 = vector.shape_cast %reduce_max3A_67 : vector<128xf32> to vector<128x1xf32>
    %eq3A_69 = vector.broadcast %broadcast_in_dim3A_68 : vector<128x1xf32> to vector<128x1152xf32>
    %eq3A_70 = arith.cmpf oeq, %select_n3A_65, %eq3A_69 : vector<128x1152xf32>
    %jit3A_71 = arith.constant 1073741824 : i32
    %broadcast_in_dim3A_72 = vector.broadcast %jit3A_71 : i32 to vector<128x1152xi32>
    %select_n3A_73 = arith.select %eq3A_70, %concatenate3A_37, %broadcast_in_dim3A_72 : vector<128x1152xi1>, vector<128x1152xi32>
    %reduce_min3A_74 = arith.constant dense<2147483647> : vector<128xi32>
    %reduce_min3A_75 = vector.multi_reduction <minsi>, %select_n3A_73, %reduce_min3A_74 [1] : vector<128x1152xi32> to vector<128xi32>
    %broadcast_in_dim3A_76 = vector.shape_cast %reduce_min3A_75 : vector<128xi32> to vector<128x1xi32>
    %eq3A_77 = vector.broadcast %broadcast_in_dim3A_76 : vector<128x1xi32> to vector<128x1152xi32>
    %eq3A_78 = arith.cmpi eq, %concatenate3A_37, %eq3A_77 : vector<128x1152xi32>
    %jit3A_79 = arith.constant 0xFF800000 : f32
    %broadcast_in_dim3A_80 = vector.broadcast %jit3A_79 : f32 to vector<128x1152xf32>
    %select_n3A_81 = arith.select %eq3A_78, %broadcast_in_dim3A_80, %select_n3A_65 : vector<128x1152xi1>, vector<128x1152xf32>
    %reduce_max3A_82 = arith.constant dense<0xFF800000> : vector<128xf32>
    %reduce_max3A_83 = vector.multi_reduction <maximumf>, %select_n3A_81, %reduce_max3A_82 [1] : vector<128x1152xf32> to vector<128xf32>
    %broadcast_in_dim3A_84 = vector.shape_cast %reduce_max3A_83 : vector<128xf32> to vector<128x1xf32>
    %eq3A_85 = vector.broadcast %broadcast_in_dim3A_84 : vector<128x1xf32> to vector<128x1152xf32>
    %eq3A_86 = arith.cmpf oeq, %select_n3A_81, %eq3A_85 : vector<128x1152xf32>
    %jit3A_87 = arith.constant 1073741824 : i32
    %broadcast_in_dim3A_88 = vector.broadcast %jit3A_87 : i32 to vector<128x1152xi32>
    %select_n3A_89 = arith.select %eq3A_86, %concatenate3A_37, %broadcast_in_dim3A_88 : vector<128x1152xi1>, vector<128x1152xi32>
    %reduce_min3A_90 = arith.constant dense<2147483647> : vector<128xi32>
    %reduce_min3A_91 = vector.multi_reduction <minsi>, %select_n3A_89, %reduce_min3A_90 [1] : vector<128x1152xi32> to vector<128xi32>
    %broadcast_in_dim3A_92 = vector.shape_cast %reduce_min3A_91 : vector<128xi32> to vector<128x1xi32>
    %eq3A_93 = vector.broadcast %broadcast_in_dim3A_92 : vector<128x1xi32> to vector<128x1152xi32>
    %eq3A_94 = arith.cmpi eq, %concatenate3A_37, %eq3A_93 : vector<128x1152xi32>
    %jit3A_95 = arith.constant 0xFF800000 : f32
    %broadcast_in_dim3A_96 = vector.broadcast %jit3A_95 : f32 to vector<128x1152xf32>
    %select_n3A_97 = arith.select %eq3A_94, %broadcast_in_dim3A_96, %select_n3A_81 : vector<128x1152xi1>, vector<128x1152xf32>
    %reduce_max3A_98 = arith.constant dense<0xFF800000> : vector<128xf32>
    %reduce_max3A_99 = vector.multi_reduction <maximumf>, %select_n3A_97, %reduce_max3A_98 [1] : vector<128x1152xf32> to vector<128xf32>
    %broadcast_in_dim3A_100 = vector.shape_cast %reduce_max3A_99 : vector<128xf32> to vector<128x1xf32>
    %eq3A_101 = vector.broadcast %broadcast_in_dim3A_100 : vector<128x1xf32> to vector<128x1152xf32>
    %eq3A_102 = arith.cmpf oeq, %select_n3A_97, %eq3A_101 : vector<128x1152xf32>
    %jit3A_103 = arith.constant 1073741824 : i32
    %broadcast_in_dim3A_104 = vector.broadcast %jit3A_103 : i32 to vector<128x1152xi32>
    %select_n3A_105 = arith.select %eq3A_102, %concatenate3A_37, %broadcast_in_dim3A_104 : vector<128x1152xi1>, vector<128x1152xi32>
    %reduce_min3A_106 = arith.constant dense<2147483647> : vector<128xi32>
    %reduce_min3A_107 = vector.multi_reduction <minsi>, %select_n3A_105, %reduce_min3A_106 [1] : vector<128x1152xi32> to vector<128xi32>
    %broadcast_in_dim3A_108 = vector.shape_cast %reduce_min3A_107 : vector<128xi32> to vector<128x1xi32>
    %eq3A_109 = vector.broadcast %broadcast_in_dim3A_108 : vector<128x1xi32> to vector<128x1152xi32>
    %eq3A_110 = arith.cmpi eq, %concatenate3A_37, %eq3A_109 : vector<128x1152xi32>
    %jit3A_111 = arith.constant 0xFF800000 : f32
    %broadcast_in_dim3A_112 = vector.broadcast %jit3A_111 : f32 to vector<128x1152xf32>
    %select_n3A_113 = arith.select %eq3A_110, %broadcast_in_dim3A_112, %select_n3A_97 : vector<128x1152xi1>, vector<128x1152xf32>
    %reduce_max3A_114 = arith.constant dense<0xFF800000> : vector<128xf32>
    %reduce_max3A_115 = vector.multi_reduction <maximumf>, %select_n3A_113, %reduce_max3A_114 [1] : vector<128x1152xf32> to vector<128xf32>
    %broadcast_in_dim3A_116 = vector.shape_cast %reduce_max3A_115 : vector<128xf32> to vector<128x1xf32>
    %eq3A_117 = vector.broadcast %broadcast_in_dim3A_116 : vector<128x1xf32> to vector<128x1152xf32>
    %eq3A_118 = arith.cmpf oeq, %select_n3A_113, %eq3A_117 : vector<128x1152xf32>
    %jit3A_119 = arith.constant 1073741824 : i32
    %broadcast_in_dim3A_120 = vector.broadcast %jit3A_119 : i32 to vector<128x1152xi32>
    %select_n3A_121 = arith.select %eq3A_118, %concatenate3A_37, %broadcast_in_dim3A_120 : vector<128x1152xi1>, vector<128x1152xi32>
    %reduce_min3A_122 = arith.constant dense<2147483647> : vector<128xi32>
    %reduce_min3A_123 = vector.multi_reduction <minsi>, %select_n3A_121, %reduce_min3A_122 [1] : vector<128x1152xi32> to vector<128xi32>
    %broadcast_in_dim3A_124 = vector.shape_cast %reduce_min3A_123 : vector<128xi32> to vector<128x1xi32>
    %eq3A_125 = vector.broadcast %broadcast_in_dim3A_124 : vector<128x1xi32> to vector<128x1152xi32>
    %eq3A_126 = arith.cmpi eq, %concatenate3A_37, %eq3A_125 : vector<128x1152xi32>
    %jit3A_127 = arith.constant 0xFF800000 : f32
    %broadcast_in_dim3A_128 = vector.broadcast %jit3A_127 : f32 to vector<128x1152xf32>
    %select_n3A_129 = arith.select %eq3A_126, %broadcast_in_dim3A_128, %select_n3A_113 : vector<128x1152xi1>, vector<128x1152xf32>
    %reduce_max3A_130 = arith.constant dense<0xFF800000> : vector<128xf32>
    %reduce_max3A_131 = vector.multi_reduction <maximumf>, %select_n3A_129, %reduce_max3A_130 [1] : vector<128x1152xf32> to vector<128xf32>
    %broadcast_in_dim3A_132 = vector.shape_cast %reduce_max3A_131 : vector<128xf32> to vector<128x1xf32>
    %eq3A_133 = vector.broadcast %broadcast_in_dim3A_132 : vector<128x1xf32> to vector<128x1152xf32>
    %eq3A_134 = arith.cmpf oeq, %select_n3A_129, %eq3A_133 : vector<128x1152xf32>
    %jit3A_135 = arith.constant 1073741824 : i32
    %broadcast_in_dim3A_136 = vector.broadcast %jit3A_135 : i32 to vector<128x1152xi32>
    %select_n3A_137 = arith.select %eq3A_134, %concatenate3A_37, %broadcast_in_dim3A_136 : vector<128x1152xi1>, vector<128x1152xi32>
    %reduce_min3A_138 = arith.constant dense<2147483647> : vector<128xi32>
    %reduce_min3A_139 = vector.multi_reduction <minsi>, %select_n3A_137, %reduce_min3A_138 [1] : vector<128x1152xi32> to vector<128xi32>
    %broadcast_in_dim3A_140 = vector.shape_cast %reduce_min3A_139 : vector<128xi32> to vector<128x1xi32>
    %eq3A_141 = vector.broadcast %broadcast_in_dim3A_140 : vector<128x1xi32> to vector<128x1152xi32>
    %eq3A_142 = arith.cmpi eq, %concatenate3A_37, %eq3A_141 : vector<128x1152xi32>
    %jit3A_143 = arith.constant 0xFF800000 : f32
    %broadcast_in_dim3A_144 = vector.broadcast %jit3A_143 : f32 to vector<128x1152xf32>
    %select_n3A_145 = arith.select %eq3A_142, %broadcast_in_dim3A_144, %select_n3A_129 : vector<128x1152xi1>, vector<128x1152xf32>
    %reduce_max3A_146 = arith.constant dense<0xFF800000> : vector<128xf32>
    %reduce_max3A_147 = vector.multi_reduction <maximumf>, %select_n3A_145, %reduce_max3A_146 [1] : vector<128x1152xf32> to vector<128xf32>
    %broadcast_in_dim3A_148 = vector.shape_cast %reduce_max3A_147 : vector<128xf32> to vector<128x1xf32>
    %eq3A_149 = vector.broadcast %broadcast_in_dim3A_148 : vector<128x1xf32> to vector<128x1152xf32>
    %eq3A_150 = arith.cmpf oeq, %select_n3A_145, %eq3A_149 : vector<128x1152xf32>
    %jit3A_151 = arith.constant 1073741824 : i32
    %broadcast_in_dim3A_152 = vector.broadcast %jit3A_151 : i32 to vector<128x1152xi32>
    %select_n3A_153 = arith.select %eq3A_150, %concatenate3A_37, %broadcast_in_dim3A_152 : vector<128x1152xi1>, vector<128x1152xi32>
    %reduce_min3A_154 = arith.constant dense<2147483647> : vector<128xi32>
    %reduce_min3A_155 = vector.multi_reduction <minsi>, %select_n3A_153, %reduce_min3A_154 [1] : vector<128x1152xi32> to vector<128xi32>
    %broadcast_in_dim3A_156 = vector.shape_cast %reduce_min3A_155 : vector<128xi32> to vector<128x1xi32>
    %concatenate3A_157 = tpu.concatenate %broadcast_in_dim3A_39, %broadcast_in_dim3A_52, %broadcast_in_dim3A_68, %broadcast_in_dim3A_84, %broadcast_in_dim3A_100, %broadcast_in_dim3A_116, %broadcast_in_dim3A_132, %broadcast_in_dim3A_148 in 1 : vector<128x1xf32>, vector<128x1xf32>, vector<128x1xf32>, vector<128x1xf32>, vector<128x1xf32>, vector<128x1xf32>, vector<128x1xf32>, vector<128x1xf32> -> vector<128x8xf32>
    %concatenate3A_158 = tpu.concatenate %broadcast_in_dim3A_44, %broadcast_in_dim3A_60, %broadcast_in_dim3A_76, %broadcast_in_dim3A_92, %broadcast_in_dim3A_108, %broadcast_in_dim3A_124, %broadcast_in_dim3A_140, %broadcast_in_dim3A_156 in 1 : vector<128x1xi32>, vector<128x1xi32>, vector<128x1xi32>, vector<128x1xi32>, vector<128x1xi32>, vector<128x1xi32>, vector<128x1xi32>, vector<128x1xi32> -> vector<128x8xi32>
    %broadcast_in_dim3A_159 = arith.constant 0xFF800000 : f32
    %broadcast_in_dim3A_160 = vector.broadcast %broadcast_in_dim3A_159 : f32 to vector<128x120xf32>
    %concatenate3A_161 = tpu.concatenate %concatenate3A_157, %broadcast_in_dim3A_160 in 1 : vector<128x8xf32>, vector<128x120xf32> -> vector<128x128xf32>
    %swap3A_162 = arith.constant 0 : index
    %swap3A_163 = arith.constant 0 : index
    %swap3A_164 = vector.load %arg6[%swap3A_162, %swap3A_163] : memref<128x128xf32, #tpu.memory_space<vmem>>, vector<128x128xf32>
    tpu.vector_store %arg6[%swap3A_162, %swap3A_163], %concatenate3A_161 {strides = array<i32>} : memref<128x128xf32, #tpu.memory_space<vmem>>, vector<128x128xf32>,
    %broadcast_in_dim3A_165 = arith.constant 1073741824 : i32
    %broadcast_in_dim3A_166 = vector.broadcast %broadcast_in_dim3A_165 : i32 to vector<128x120xi32>
    %concatenate3A_167 = tpu.concatenate %concatenate3A_158, %broadcast_in_dim3A_166 in 1 : vector<128x8xi32>, vector<128x120xi32> -> vector<128x128xi32>
    %swap3A_168 = arith.constant 0 : index
    %swap3A_169 = arith.constant 0 : index
    %swap3A_170 = vector.load %arg7[%swap3A_168, %swap3A_169] : memref<128x128xi32, #tpu.memory_space<vmem>>, vector<128x128xi32>
    tpu.vector_store %arg7[%swap3A_168, %swap3A_169], %concatenate3A_167 {strides = array<i32>} : memref<128x128xi32, #tpu.memory_space<vmem>>, vector<128x128xi32>,
    %eq3A_171 = arith.constant 7 : i32
    %eq3A_172 = arith.cmpi eq, %arg0, %eq3A_171 : i32
    %convert_element_type3A_173 = arith.extui %eq3A_172 : i1 to i32
    %cond3A_174 = arith.constant 0 : i32
    %cond3A_175 = arith.cmpi ne, %convert_element_type3A_173, %cond3A_174 : i32
    scf.if %cond3A_175 {
      %swap3A_176 = arith.constant 0 : index
      %swap3A_177 = arith.constant 0 : index
      %swap3A_178 = vector.load %arg4[%swap3A_176, %swap3A_177] : memref<128x8xi32, #tpu.memory_space<vmem>>, vector<128x8xi32>
      tpu.vector_store %arg4[%swap3A_176, %swap3A_177], %concatenate3A_158 {strides = array<i32>} : memref<128x8xi32, #tpu.memory_space<vmem>>, vector<128x8xi32>,
      %reduce_sum3A_179 = vector.shape_cast %concatenate3A_157 : vector<128x8xf32> to vector<1x128x8xf32>
      %reduce_sum3A_180 = arith.constant dense<0.000000e+00> : vector<1xf32>
      %reduce_sum3A_181 = vector.multi_reduction <add>, %reduce_sum3A_179, %reduce_sum3A_180 [1, 2] : vector<1x128x8xf32> to vector<1xf32>
      %reduce_sum3A_182 = vector.shape_cast %reduce_sum3A_181 : vector<1xf32> to vector<1x1x1xf32>
      %reduce_sum3A_183 = vector.extract %reduce_sum3A_182[0, 0, 0] : f32 from vector<1x1x1xf32>
      %mul3A_184 = arith.constant 7.812500e-03 : f32
      %mul3A_185 = arith.mulf %reduce_sum3A_183, %mul3A_184 : f32
      %reshape3A = vector.broadcast %mul3A_185 : f32 to vector<1x1xf32>
      %swap3A_186 = arith.constant 0 : index
      %swap3A_187 = arith.constant 0 : index
      %swap3A_188 = vector.load %arg5[%swap3A_186, %swap3A_187] : memref<1x1xf32, #tpu.memory_space<vmem>>, vector<1x1xf32>
      tpu.vector_store %arg5[%swap3A_186, %swap3A_187], %reshape3A {strides = array<i32>} : memref<1x1xf32, #tpu.memory_space<vmem>>, vector<1x1xf32>,
    } else {
    }
    return
  }
  func.func @transform_0(%arg0: i32) -> (i32, i32) {
    %c0_i32 = arith.constant 0 : i32
    %c0_i32_0 = arith.constant 0 : i32
    %c0_i32_1 = arith.constant 0 : i32
    return %c0_i32, %c0_i32_0 : i32, i32
  }
  func.func @transform_1(%arg0: i32) -> (i32, i32) {
    %c0_i32 = arith.constant 0 : i32
    %c0_i32_0 = arith.constant 0 : i32
    return %arg0, %c0_i32 : i32, i32
  }
  func.func @transform_2(%arg0: i32) -> (i32, i32) {
    %c0_i32 = arith.constant 0 : i32
    %c0_i32_0 = arith.constant 0 : i32
    return %c0_i32, %arg0 : i32, i32
  }
  func.func @transform_3(%arg0: i32) -> (i32, i32) {
    %c0_i32 = arith.constant 0 : i32
    %c0_i32_0 = arith.constant 0 : i32
    %c0_i32_1 = arith.constant 0 : i32
    return %c0_i32, %c0_i32_0 : i32, i32
  }
  func.func @transform_4(%arg0: i32) -> (i32, i32) {
    %c0_i32 = arith.constant 0 : i32
    %c0_i32_0 = arith.constant 0 : i32
    %c0_i32_1 = arith.constant 0 : i32
    return %c0_i32, %c0_i32_0 : i32, i32
  }
}

</mosaic_0001>

<sc_bundles>
// kernel: kernel.5.cloned.1.call-start
scs
__scs_entry_jumppad:
0x0: {  	(pc) =	sbr.rel $0x88, $3  }
0x1: {  	(tag) =	ssettag $0x0;
	lr =	simm.s32 $0x1  }
0x2: {  	[smem:$0x3F9E] =	sst lr;
	_ =	strace $0xD0000000  }
0x3: {  	_ = 	snop  }
0x4: {  	_ = 	snop  }
0x5: {  	_ = 	snop  }
0x6: {  	_ = 	snop  }
0x7: {  	_ = 	snop  }
__scs_overlays_trampoline_lowered:
0x8: {  	[smem:$0x3FAD] =	sst s0  }
0x9: {  	[smem:$0x3FAE] =	sst s1  }
0xa: {  	[smem:$0x3FAF] =	sst s2  }
0xb: {  	[smem:$0x3FB0] =	sst s3  }
0xc: {  	[smem:$0x3FB1] =	sst s4  }
0xd: {  	[smem:$0x3FB2] =	sst s5  }
0xe: {  	[smem:$0x3FB3] =	sst s6  }
0xf: {  	[smem:$0x3FB4] =	sst s7  }
0x10: {  	[smem:$0x3FB5] =	sst s8  }
0x11: {  	[smem:$0x3FB6] =	sst s9;
	s0 =	simm.s32 @!p0 $0x0  }
0x12: {  	s1 =	sld [smem:$0x3F9C];
	s0 =	simm.s32 @p0 $0x1  }
0x13: {  	[smem:$0x3FB7] =	sst s0;
	s0 =	simm.s32 @!p1 $0x0  }
0x14: {  	s2 =	sld [smem:$0x3F9B];
	s0 =	simm.s32 @p1 $0x1  }
0x15: {  	[smem:$0x3FB8] =	sst s0;
	s0 =	simm.s32 @!p2 $0x0  }
0x16: {  	s3 =	sld [smem:$0x3FDB];
	s0 =	simm.s32 @p2 $0x1  }
0x17: {  	s4 =	simm.s32 $0x1BF5;
	[smem:$0x3FBA] =	sst s0  }
0x18: {  	s0 =	sld [smem:$0x3F9D];
	_ =	swait.ge [sflag:s4], $0x0  }
0x19: {  	s7 =	sld [smem:$0x3F9E]  }
0x1a: {  	s8 =	sadd.s32 $0xFFFFE003, lr  }
0x1b: {  	s9 =	sadd.s32 $0xFFFFFEF7, lr;
	s5 =	simm.s32 $0xFFFFFFFF;
	p2 =	slt.u32 s8, $0xFFFFF086  }
0x1c: {  	p1 =	slt.u32 s9, $0xF7A;
	s5 =	simm.s32 @!p2 $0x0  }
0x1d: {  	s5 =	simm.s32 @p1 $0x1;
	p0 =	seq.s32 s7, s2  }
0x1e: {  	s7 =	smul.u32 @!p0 $0xF7A, s2;
	p2 =	seq.s32 @!p0 s5, $0x0  }
0x1f: {  	s9 =	smul.u32 $0xF7A, s1;
	s8 =	simm.s32 @!p0 $0x1BF5;
	p2 =	por !p2, p0  }
0x20: {  	[sflag:s8] =	ssyncset.s32 @!p0 $0xFFFFF086;
	s6 =	sadd.s32 @!p0 s3, s7;
	s7 =	simm.s32 @!p0 $0x108  }
0x21: {  	s3 =	sadd.s32 s3, s9;
	s6 =	sadd.s32 @!p0 $0x88, s6;
	s7 =	simm.s32 @p2 $0x1082  }
0x22: {  	[simem:s7], [sflag:s8] =	dma.local @!p0 [hbm:s6], $0xF7A  }
0x23: {  	s9 =	sor.u32 $0xD0000000, s2;
	s6 =	simm.s32 $0x108;
	_ =	swait.ge @!p0 [sflag:s8], $0x0  }
0x24: {  	s3 =	sadd.s32 $0x88, s3;
	s6 =	simm.s32 @!p1 $0x1082;
	[sflag:s4] =	ssyncset.s32 $0xFFFFF086  }
0x25: {  	[simem:s6], [sflag:s4] =	dma.local [hbm:s3], $0xF7A  }
0x26: {  	[smem:$0x3F9E] =	sst s1;
	(tag) =	ssettag s2;
	_ =	strace s9  }
0x27: {  	s1 =	sld [smem:$0x3FAE]  }
0x28: {  	s2 =	sld [smem:$0x3FAF]  }
0x29: {  	s4 =	sld [smem:$0x3FB1]  }
0x2a: {  	p0 =	seq.s32 s5, $0x0;
	s5 =	sld [smem:$0x3FB2]  }
0x2b: {  	s6 =	sld [smem:$0x3FB3]  }
0x2c: {  	s7 =	sld [smem:$0x3FB4]  }
0x2d: {  	s3 =	simm.s32 $0x108;
	s8 =	sld [smem:$0x3FB5]  }
0x2e: {  	s3 =	simm.s32 @!p0 $0x1082;
	s9 =	sld [smem:$0x3FB6]  }
0x2f: {  	lr =	sadd.s32 s0, s3;
	s0 =	sld [smem:$0x3FAD]  }
0x30: {  	s3 =	sld [smem:$0x3FB0]  }
0x31: {  	[smem:$0x3FB9] =	sst s10  }
0x32: {  	s10 =	sld [smem:$0x3FB7];
	_ =	sdelay $0x3  }
0x33: {  	p0 =	seq.s32 s10, $0x1;
	s10 =	sld [smem:$0x3FB9];
	_ =	sdelay $0x3  }
0x34: {  	[smem:$0x3FB9] =	sst s10  }
0x35: {  	s10 =	sld [smem:$0x3FB8];
	_ =	sdelay $0x3  }
0x36: {  	p1 =	seq.s32 s10, $0x1;
	s10 =	sld [smem:$0x3FB9];
	_ =	sdelay $0x3  }
0x37: {  	[smem:$0x3FB9] =	sst s10  }
0x38: {  	s10 =	sld [smem:$0x3FBA]  }
0x39: {  	_ = 	snop;
	(pc) =	sbr.ind lr, $3  }
0x3a: {  	_ = 	snop  }
0x3b: {  	_ = 	snop  }
0x3c: {  	p2 =	seq.s32 s10, $0x1;
	s10 =	sld [smem:$0x3FB9]  }
0x3d: {  	_ =	shalt  }
0x3e: {  	_ =	shalt  }
0x3f: {  	_ =	shalt  }
0x40: {  	_ =	shalt  }
0x41: {  	_ =	shalt  }
0x42: {  	_ =	shalt  }
0x43: {  	_ =	shalt  }
0x44: {  	_ =	shalt  }
0x45: {  	_ =	shalt  }
0x46: {  	_ =	shalt  }
0x47: {  	_ =	shalt  }
0x48: {  	_ =	shalt  }
0x49: {  	_ =	shalt  }
0x4a: {  	_ =	shalt  }
0x4b: {  	_ =	shalt  }
0x4c: {  	_ =	shalt  }
0x4d: {  	_ =	shalt  }
0x4e: {  	_ =	shalt  }
0x4f: {  	_ =	shalt  }
0x50: {  	_ =	shalt  }
0x51: {  	_ =	shalt  }
0x52: {  	_ =	shalt  }
0x53: {  	_ =	shalt  }
0x54: {  	_ =	shalt  }
0x55: {  	_ =	shalt  }
0x56: {  	_ =	shalt  }
0x57: {  	_ =	shalt  }
0x58: {  	_ =	shalt  }
0x59: {  	_ =	shalt  }
0x5a: {  	_ =	shalt  }
0x5b: {  	_ =	shalt  }
0x5c: {  	_ =	shalt  }
0x5d: {  	_ =	shalt  }
0x5e: {  	_ =	shalt  }
0x5f: {  	_ =	shalt  }
0x60: {  	_ =	shalt  }
0x61: {  	_ =	shalt  }
0x62: {  	_ =	shalt  }
0x63: {  	_ =	shalt  }
0x64: {  	_ =	shalt  }
0x65: {  	_ =	shalt  }
0x66: {  	_ =	shalt  }
0x67: {  	_ =	shalt  }
0x68: {  	_ =	shalt  }
0x69: {  	_ =	shalt  }
0x6a: {  	_ =	shalt  }
0x6b: {  	_ =	shalt  }
0x6c: {  	_ =	shalt  }
0x6d: {  	_ =	shalt  }
0x6e: {  	_ =	shalt  }
0x6f: {  	_ =	shalt  }
0x70: {  	_ =	shalt  }
0x71: {  	_ =	shalt  }
0x72: {  	_ =	shalt  }
0x73: {  	_ =	shalt  }
0x74: {  	_ =	shalt  }
0x75: {  	_ =	shalt  }
0x76: {  	_ =	shalt  }
0x77: {  	_ =	shalt  }
0x78: {  	_ =	shalt  }
0x79: {  	_ =	shalt  }
0x7a: {  	_ =	shalt  }
0x7b: {  	_ =	shalt  }
0x7c: {  	_ =	shalt  }
0x7d: {  	_ =	shalt  }
0x7e: {  	_ =	shalt  }
0x7f: {  	_ =	shalt  }
0x80: {  	_ =	shalt  }
0x81: {  	_ =	shalt  }
0x82: {  	_ =	shalt  }
0x83: {  	_ =	shalt  }
0x84: {  	_ =	shalt  }
0x85: {  	_ =	shalt  }
0x86: {  	_ =	shalt  }
0x87: {  	_ =	shalt  }
.Lfunc_end0:
.L_simem_size_0:
called_computation_lowered:
.L_overlay_start_0:
0x88: {  	s2 =	sld [smem:$0x3FD9]  }
0x89: {  	s3 =	sld [smem:$0x3FFE];
	_ =	sdelay $0x1  }
0x8a: {  	s1 =	srdreg.scid  }
0x8b: {  	s0 =	sand.u32 $0x1, s1  }
0x8c: {  	s14 =	sshll.u32 s0, $0xA;
	s2 =	sadd.s32 s3, s2  }
0x8d: {  	s2 =	sadd.s32 s2, s14  }
0x8e: {  	[smem:$0x3FC5] =	sst s2  }
0x8f: {  	_ = 	snop  }
0x90: {  	s2 =	sld [smem:$0x3FD0];
	_ =	sdelay $0x2  }
0x91: {  	s15 =	simm.s32 $0xA;
	s4 =	simm.s32 $0x10  }
0x92: {  	[smem:s4], [sflag:s15] =	dma.local [hbm:s2], $0x1  }
0x93: {  	_ =	swait.eq [sflag:s15], $0x1  }
0x94: {  	[sflag:s15] =	ssyncset.done $0x0  }
0x95: {  	[sflag:s15] =	ssyncadd.s32 $0xFFFFFFFF  }
0x96: {  	s16 =	sld [smem:$0x10];
	(tm) =	ssettm $0x1  }
0x97: {  	s17 =	sld [smem:$0x3FFB];
	_ =	sdelay $0x3  }
0x98: {  	_ =	strace s17  }
0x99: {  	s3 =	sld [smem:$0x3FFC];
	_ =	sdelay $0x3  }
0x9a: {  	_ =	strace s3  }
0x9b: {  	s3 =	sld [smem:$0x3FFD];
	_ =	sdelay $0x3  }
0x9c: {  	_ =	strace s3  }
0x9d: {  	_ =	strace $0x8FFFFFFF  }
0x9e: {  	s18 =	sld [smem:$0x3FDB];
	_ =	sdelay $0x1  }
0x9f: {  	s19 =	simm.s32 $_scs_section_size  }
0xa0: {  	s5 =	simm.s32 $_size__tile_overlayer_lowered;
	s6 =	simm.s32 $_tile_overlayer_lowered  }
0xa1: {  	s22 =	simm.s32 $0x1BFF;
	s21 =	sshll.u32 s6, $0x1;
	s3 =	sadd.s32 s19, s18  }
0xa2: {  	s7 =	simm.s32 $0x0;
	s20 =	sshll.u32 s5, $0x1;
	s5 =	sadd.s32 s21, s3  }
0xa3: {  	[timem:s7], [sflag:s22] =	dma.local [hbm:s5], s20  }
0xa4: {  	_ =	swait.ge [sflag:s22], s20  }
0xa5: {  	s4 =	ssub.s32 $0x0, s20;
	[sflag:s22] =	ssyncset.done $0x0  }
0xa6: {  	[sflag:s22] =	ssyncadd.s32 s4;
	_ =	sdelay $0x1  }
0xa7: {  	s23 =	simm.s32 $0x1B8B  }
0xa8: {  	_ =	swait.ge [sflag:s23], $0x1  }
0xa9: {  	[sflag:s23] =	ssyncset.done $0x0  }
0xaa: {  	s25 =	simm.s32 $0x1B8E;
	s24 =	sld [smem:$0x3FFE];
	[sflag:s23] =	ssyncadd.s32 $0xFFFFFFFF  }
0xab: {  	s26 =	simm.s32 $execute0_lowered;
	[smem:$0x3FD2] =	sst s25  }
0xac: {  	s5 =	sshll.u32 s26, $0x1;
	_ =	strace $0x80000046;
	[dreg:$0x1] =	wrdreg $0xFFFFFFFF  }
0xad: {  	s28 =	simm.s32 $_size_execute0_lowered;
	s3 =	sadd.s32 s3, s5;
	[dreg:$0x0] =	wrdreg $0x0  }
0xae: {  	s5 =	sshll.u32 s28, $0x1;
	[dreg:$0x2] =	wrdreg s3  }
0xaf: {  	[dreg:$0x3] =	wrdreg s5  }
0xb0: {  	[dreg:$0x4] =	wrdreg $0xC0  }
0xb1: {  	_ =	task [dreg:s7], $0x5FFFF  }
0xb2: {  	[dreg:$0x1] =	wrdreg $0xFFFFFFFF  }
0xb3: {  	[dreg:$0x0] =	wrdreg $0x60  }
0xb4: {  	[dreg:$0x2] =	wrdreg s24  }
0xb5: {  	[dreg:$0x3] =	wrdreg s16  }
0xb6: {  	[dreg:$0x4] =	wrdreg $0x9  }
0xb7: {  	_ =	task.clear_ibuf [dreg:s7], $0x5FFFF;
	_ =	strace $0x90000046  }
0xb8: {  	s29 =	simm.s32 $0x9;
	_ =	strace $0x80000048  }
0xb9: {  	_ =	swait.ge [sflag:s29], $0x1  }
0xba: {  	[sflag:s29] =	ssyncadd.s32 $0xFFFFFFFF  }
0xbb: {  	_ =	strace $0x90000048  }
0xbc: {  	_ =	sfence  }
0xbd: {  	s30 =	sld [smem:$0x0];
	_ =	sdelay $0x2  }
0xbe: {  	s31 =	sshll.u32 s1, $0xD;
	s1 =	sshrl.u32 s1, $0x2  }
0xbf: {  	s3 =	sand.u32 $0x4000, s31;
	s1 =	sadd.s32 s1, s30  }
0xc0: {  	s0 =	sor.u32 s3, s0;
	s1 =	sshll.u32 s1, $0x11  }
0xc1: {  	s0 =	sor.u32 s1, s0  }
0xc2: {  	s0 =	sadd.s32 $0x8F2B, s0  }
0xc3: {  	[sflag:s0] =	ssyncadd.remote.s32 $0x1  }
0xc4: {  	_ =	sfence.sel $0xFFFF  }
0xc5: {  	[dreg:$0x0] =	wrdreg $0xFFFFFFFF;
	(pc) =	sbr.abs _section_cstart, $3  }
0xc6: {  	[dreg:$0x1] =	wrdreg $0xFFFFFFFF  }
0xc7: {  	_ =	task.clear_ibuf [dreg:s7], $0x2FFFF;
	_ =	strace $0x9FFFFFFF  }
0xc8: {  	(tm) =	ssettm $0x7FFFFFFF  }
0xc9: {  	_ =	shalt  }
tec
execute0_lowered:
.L_overlay_start_1:
0x0: {  	(tag) =	ssettag $0x1  }
0x1: {  	s0 =	rddreg [dreg:$0x0]  }
0x2: {  	s9 =	rddreg [dreg:$0x1]  }
0x3: {  	s2 =	simm.s32 $0x0;
	s3 =	srdreg.scid;
	s1 =	stileid.u32  }
0x4: {  	s28 =	simm.s32 $0x6080;
	s29 =	simm.s32 $0x6880;
	s30 =	simm.s32 $0x7080  }
0x5: {  	s31 =	simm.s32 $0x1;
	s11 =	sand.u32 $0x1, s3;
	s24 =	sshll.u32 s1, $0x1  }
0x6: {  	s12 =	sshll.u32 s1, $0xA;
	s13 =	sor.u32 s11, s24;
	s25 =	sshll.u32 s11, $0x9  }
0x7: {  	[smem:$0x7FF] =	sst s2;
	s4 =	smul.u32 $0xB4000, s13;
	s3 =	sor.u32 s25, s12  }
0x8: {  	s8 =	sadd.s32 $0x1000, s0;
	s5 =	smul.u32 $0x12C00, s13;
	s3 =	sshrl.u32 s3, $0x3  }
0x9: {  	s10 =	sadd.s32 $0x1800, s0;
	_ =	strace $0x80000047;
	s6 =	sadd.s32 s8, s3  }
0xa: {  	s4 =	sshrl.u32 s4, $0x3;
	s5 =	sadd.s32 s9, s5;
	[dreg:$0x3] =	wrdreg s6  }
0xb: {  	s11 =	ssub.s32 $0x2, s11;
	s26 =	sadd.s32 s10, s4;
	[dreg:$0x5] =	wrdreg s5  }
0xc: {  	s18 =	sshll.u32 s13, $0x2;
	s7 =	sadd.s32 $0xF00, s26;
	[smem:$0x7F1] =	sst s26  }
0xd: {  	s3 =	smul.u32 $0x96000, s13;
	s14 =	sadd.s32 $0x5700, s26;
	[dreg:$0x4] =	wrdreg s7  }
0xe: {  	s13 =	sshllo.u32 s13, $0x2;
	s16 =	sadd.s32 $0x5710, s26;
	[dreg:$0x6] =	wrdreg s14  }
0xf: {  	s4 =	sshrl.u32 s3, $0x3;
	s19 =	sadd.s32 $0x5720, s26;
	[dreg:$0x8] =	wrdreg s16  }
0x10: {  	s6 =	sor.u32 $0x2, s18;
	s4 =	sadd.s32 s9, s4;
	[dreg:$0xa] =	wrdreg s19  }
0x11: {  	s7 =	sor.u32 $0x1, s18;
	s14 =	sadd.s32 $0x5730, s26;
	s16 =	smul.u32 $0x2D000, s6  }
0x12: {  	s15 =	sadd.s32 $0x4800, s4;
	s17 =	sadd.s32 $0x4810, s4;
	[dreg:$0xc] =	wrdreg s14  }
0x13: {  	s20 =	sadd.s32 $0x4820, s4;
	s21 =	sshll.u32 s7, $0x7;
	[dreg:$0x7] =	wrdreg s15  }
0x14: {  	[dreg:$0x9] =	wrdreg s17;
	s5 =	sand.u32 $0x280, s21;
	s15 =	smul.u32 $0x2D000, s7  }
0x15: {  	s4 =	sadd.s32 $0x4830, s4;
	[dreg:$0xb] =	wrdreg s20;
	s5 =	sor.u32 s12, s5  }
0x16: {  	s7 =	smul.u32 $0x25800, s7;
	s5 =	sshrl.u32 s5, $0x3;
	s22 =	sshrl.u32 s15, $0x3  }
0x17: {  	[dreg:$0xd] =	wrdreg s4;
	s5 =	sadd.s32 s8, s5;
	s4 =	sadd.s32 s10, s22  }
0x18: {  	s7 =	sshrl.u32 s7, $0x3;
	[dreg:$0xe] =	wrdreg s5;
	s23 =	sadd.s32 $0xF00, s4  }
0x19: {  	s15 =	sshll.u32 s6, $0x7;
	s24 =	sadd.s32 $0x5700, s4;
	[dreg:$0xf] =	wrdreg s23  }
0x1a: {  	s5 =	sadd.s32 s9, s7;
	s26 =	sadd.s32 $0x5710, s4;
	[dreg:$0x10] =	wrdreg s24  }
0x1b: {  	s3 =	sadd.s32 $0x5720, s4;
	s7 =	sand.u32 $0x300, s15;
	[dreg:$0x12] =	wrdreg s26  }
0x1c: {  	s15 =	sshrl.u32 s16, $0x3;
	s25 =	sadd.s32 $0x4800, s5;
	[dreg:$0x14] =	wrdreg s3  }
0x1d: {  	s16 =	smul.u32 $0x25800, s6;
	s1 =	sadd.s32 $0x4810, s5;
	[dreg:$0x11] =	wrdreg s25  }
0x1e: {  	s14 =	sadd.s32 $0x4820, s5;
	s17 =	sadd.s32 $0x4830, s5;
	[dreg:$0x13] =	wrdreg s1  }
0x1f: {  	s7 =	sor.u32 s12, s7;
	s6 =	sadd.s32 s10, s15;
	[dreg:$0x15] =	wrdreg s14  }
0x20: {  	s26 =	sshll.u32 s13, $0x7;
	s14 =	sadd.s32 $0x5730, s4;
	[dreg:$0x17] =	wrdreg s17  }
0x21: {  	s7 =	sshrl.u32 s7, $0x3;
	s18 =	sadd.s32 $0xF00, s6;
	[dreg:$0x16] =	wrdreg s14  }
0x22: {  	s19 =	sshrl.u32 s16, $0x3;
	s20 =	sadd.s32 $0x5700, s6;
	[dreg:$0x19] =	wrdreg s18  }
0x23: {  	s22 =	sadd.s32 $0x5710, s6;
	s24 =	sadd.s32 $0x5720, s6;
	[dreg:$0x1a] =	wrdreg s20  }
0x24: {  	s15 =	sadd.s32 $0x5730, s6;
	s1 =	smul.u32 $0x2D000, s13;
	[dreg:$0x1c] =	wrdreg s22  }
0x25: {  	s13 =	smul.u32 $0x25800, s13;
	s16 =	simm.s32 $0x880;
	[dreg:$0x1e] =	wrdreg s24  }
0x26: {  	s7 =	sadd.s32 s8, s7;
	s14 =	sand.u32 $0x380, s26;
	[smem:$0x7F2] =	sst s15  }
0x27: {  	s24 =	sshrl.u32 s11, $0x1;
	s15 =	simm.s32 $0x80;
	[dreg:$0x18] =	wrdreg s7  }
0x28: {  	s7 =	sadd.s32 s9, s19;
	s12 =	sor.u32 s12, s14;
	s17 =	sshrl.u32 s1, $0x3  }
0x29: {  	s18 =	sshrl.u32 s13, $0x3;
	s13 =	ssub.s32 s11, s24;
	s21 =	sadd.s32 $0x4800, s7  }
0x2a: {  	s11 =	sadd.s32 $0x600900, s0;
	s23 =	sadd.s32 $0x4810, s7;
	[dreg:$0x1b] =	wrdreg s21  }
0x2b: {  	s14 =	simm.s32 $0x2;
	s25 =	sadd.s32 $0x4820, s7;
	[dreg:$0x1d] =	wrdreg s23  }
0x2c: {  	s3 =	sadd.s32 $0x4830, s7;
	s12 =	sshrl.u32 s12, $0x3;
	[dreg:$0x1f] =	wrdreg s25  }
0x2d: {  	s9 =	sadd.s32 s9, s18;
	[smem:$0x7F3] =	sst s3;
	s12 =	sadd.s32 s8, s12  }
0x2e: {  	s24 =	simm.s32 $0x4880;
	s20 =	sadd.s32 $0x4800, s9;
	[smem:$0x7F4] =	sst s12  }
0x2f: {  	s13 =	smax.u32 s13, $0x1;
	s23 =	sadd.s32 $0x4820, s9;
	[smem:$0x7F7] =	sst s20  }
0x30: {  	s8 =	sadd.s32 s10, s17;
	s26 =	sadd.s32 $0x4830, s9;
	[smem:$0x7FB] =	sst s23  }
0x31: {  	s18 =	simm.s32 $0x1880;
	s10 =	sadd.s32 $0xF00, s8;
	[smem:$0x7FD] =	sst s26  }
0x32: {  	s17 =	simm.s32 $0x1080;
	s19 =	sadd.s32 $0x5700, s8;
	[smem:$0x7F5] =	sst s10  }
0x33: {  	s21 =	sadd.s32 $0x5710, s8;
	s12 =	sadd.s32 $0x4810, s9;
	[smem:$0x7F6] =	sst s19  }
0x34: {  	s22 =	sadd.s32 $0x5720, s8;
	s25 =	sadd.s32 $0x5730, s8;
	[smem:$0x7F8] =	sst s21  }
0x35: {  	s20 =	simm.s32 $0x2880;
	s23 =	simm.s32 $0x4080;
	[smem:$0x7F9] =	sst s12  }
0x36: {  	v2 =	vlaneseq.u32;
	s26 =	simm.s32 $0x5880;
	s10 =	sadd.s32 $0x600800, s0;
	[smem:$0x7FA] =	sst s22  }
0x37: {  	vm0 =	vmmov $0xffff;
	v1 =	vshrl.u32 v2, $0x3;
	[smem:$0x7FC] =	sst s25;
	s12 =	sadd.s32 $0x600A00, s0;
	s19 =	simm.s32 $0x2080  }
0x38: {  	v0 =	vand.u32 $0x7, v2;
	v2 =	vor.u32 $0x8, v2;
	v1 =	vmul.u32 $0x8, v1;
	s21 =	simm.s32 $0x3080;
	s22 =	simm.s32 $0x3880;
	s25 =	simm.s32 $0x5080  }
.LBB2_1:
0x39: {  	s0 =	rddreg [dreg:$0x3]  }
0x3a: {  	[tilespmem:s2], [sflag:$0x2] =	stream.linear.gather [hbm4b:s0+s2], $0x80, $0x38;
	[tilespmem:$0x7880] =	vst v63  }
0x3b: {  	_ =	swait.ge [sflag:s14], $0x80  }
0x3c: {  	[sflag:s14] =	ssyncset.done $0x0  }
0x3d: {  	[sflag:s14] =	ssyncadd.s32 $0xFFFFFF80  }
0x3e: {  	v3 =	vld [tilespmem:$0x0];
	_ =	sdelay $0x4  }
0x3f: {  	v4 =	vshrl.u32 v3, $0x3  }
0x40: {  	v4 =	vmul.u32 $0x30, v4  }
0x41: {  	v3 =	vand.u32 $0x7, v3  }
0x42: {  	v3 =	vor.u32 v3, v4  }
0x43: {  	v4 =	vperm.xlane v3, v0;
	_ =	sdelay $0x1  }
0x44: {  	v4 =	vadd.s32 v1, v4;
	_ =	sdelay $0x3  }
0x45: {  	v3 =	vperm.xlane v3, v2  }
0x46: {  	[tilespmem:s15], [sflag:$0x1] =	stream.indirect_vreg.gather [hbm4b:s10+s2], $0x80, v4, vm0, $0xb8;
	[tilespmem:$0x7880] =	vst v63  }
0x47: {  	v3 =	vadd.s32 v1, v3  }
0x48: {  	[tilespmem:s16], [sflag:$0x1] =	stream.indirect_vreg.gather [hbm4b:s11+s2], $0x80, v4, vm0, $0xb8;
	[tilespmem:$0x7880] =	vst v63  }
0x49: {  	_ = 	snop  }
0x4a: {  	[tilespmem:s17], [sflag:$0x1] =	stream.indirect_vreg.gather [hbm4b:s12+s2], $0x80, v4, vm0, $0xb8;
	[tilespmem:$0x7880] =	vst v63  }
0x4b: {  	_ = 	snop  }
0x4c: {  	[tilespmem:s18], [sflag:$0x1] =	stream.indirect_vreg.gather [hbm4b:s10+s2], $0x80, v3, vm0, $0xb8;
	[tilespmem:$0x7880] =	vst v63  }
0x4d: {  	_ = 	snop  }
0x4e: {  	[tilespmem:s19], [sflag:$0x1] =	stream.indirect_vreg.gather [hbm4b:s11+s2], $0x80, v3, vm0, $0xb8;
	[tilespmem:$0x7880] =	vst v63  }
0x4f: {  	_ = 	snop  }
0x50: {  	[tilespmem:s20], [sflag:$0x1] =	stream.indirect_vreg.gather [hbm4b:s12+s2], $0x80, v3, vm0, $0xb8;
	[tilespmem:$0x7880] =	vst v63  }
0x51: {  	v3 =	vld [tilespmem:$0x10];
	_ =	sdelay $0x4  }
0x52: {  	v53 =	vshrl.u32 v3, $0x3  }
0x53: {  	v4 =	vmul.u32 $0x30, v53  }
0x54: {  	v3 =	vand.u32 $0x7, v3  }
0x55: {  	v3 =	vor.u32 v3, v4  }
0x56: {  	v4 =	vperm.xlane v3, v0;
	_ =	sdelay $0x1  }
0x57: {  	v4 =	vadd.s32 v1, v4;
	_ =	sdelay $0x3  }
0x58: {  	v3 =	vperm.xlane v3, v2  }
0x59: {  	[tilespmem:s21], [sflag:$0x1] =	stream.indirect_vreg.gather [hbm4b:s10+s2], $0x80, v4, vm0, $0xb8;
	[tilespmem:$0x7880] =	vst v63  }
0x5a: {  	v3 =	vadd.s32 v1, v3  }
0x5b: {  	[tilespmem:s22], [sflag:$0x1] =	stream.indirect_vreg.gather [hbm4b:s11+s2], $0x80, v4, vm0, $0xb8;
	[tilespmem:$0x7880] =	vst v63  }
0x5c: {  	_ = 	snop  }
0x5d: {  	[tilespmem:s23], [sflag:$0x1] =	stream.indirect_vreg.gather [hbm4b:s12+s2], $0x80, v4, vm0, $0xb8;
	[tilespmem:$0x7880] =	vst v63  }
0x5e: {  	_ = 	snop  }
0x5f: {  	[tilespmem:s24], [sflag:$0x1] =	stream.indirect_vreg.gather [hbm4b:s10+s2], $0x80, v3, vm0, $0xb8;
	[tilespmem:$0x7880] =	vst v63  }
0x60: {  	_ = 	snop  }
0x61: {  	[tilespmem:s25], [sflag:$0x1] =	stream.indirect_vreg.gather [hbm4b:s11+s2], $0x80, v3, vm0, $0xb8;
	[tilespmem:$0x7880] =	vst v63  }
0x62: {  	_ = 	snop  }
0x63: {  	[tilespmem:s26], [sflag:$0x1] =	stream.indirect_vreg.gather [hbm4b:s12+s2], $0x80, v3, vm0, $0xb8;
	[tilespmem:$0x7880] =	vst v63  }
0x64: {  	v3 =	vld.msk [tilespmem:$0x20], $0xff;
	_ =	sdelay $0x4  }
0x65: {  	v54 =	vshrl.u32 v3, $0x3  }
0x66: {  	v4 =	vmul.u32 $0x30, v54  }
0x67: {  	v3 =	vand.u32 $0x7, v3  }
0x68: {  	v3 =	vor.u32 v3, v4  }
0x69: {  	v3 =	vperm.xlane v3, v0;
	_ =	sdelay $0x1  }
0x6a: {  	v3 =	vadd.s32 v1, v3;
	_ =	sdelay $0x4  }
0x6b: {  	[tilespmem:s28], [sflag:$0x1] =	stream.indirect_vreg.gather [hbm4b:s10+s2], $0x80, v3, vm0, $0xb8;
	[tilespmem:$0x7880] =	vst v63  }
0x6c: {  	_ = 	snop  }
0x6d: {  	[tilespmem:s29], [sflag:$0x1] =	stream.indirect_vreg.gather [hbm4b:s11+s2], $0x80, v3, vm0, $0xb8;
	[tilespmem:$0x7880] =	vst v63  }
0x6e: {  	_ = 	snop  }
0x6f: {  	[tilespmem:s30], [sflag:$0x1] =	stream.indirect_vreg.gather [hbm4b:s12+s2], $0x80, v3, vm0, $0xb8;
	[tilespmem:$0x7880] =	vst v63  }
0x70: {  	_ =	swait.ge [sflag:s31], $0x7800  }
0x71: {  	s1 =	sld [smem:$0x7F1]  }
0x72: {  	[sflag:s31] =	ssyncset.done $0x0  }
0x73: {  	[sflag:s31] =	ssyncadd.s32 $0xFFFF8800  }
0x74: {  	[hbm4b:s1+s2] =	stream.linear.scatter [tilespmem:s15], [sflag:$0x2], $0x7800, $0x38;
	[tilespmem:$0x7880] =	vst v63  }
0x75: {  	s0 =	stileid.u32;
	_ =	swait.ge [sflag:s14], $0x7800  }
0x76: {  	s0 =	sshll.u32 s0, $0x6;
	s1 =	rddreg [dreg:$0x4];
	[sflag:s14] =	ssyncset.done $0x0  }
0x77: {  	s0 =	sor.u32 $0x1C02, s0;
	s3 =	rddreg [dreg:$0x5];
	[sflag:s14] =	ssyncadd.s32 $0xFFFF8800  }
0x78: {  	[hbm:s1], [sflag:s0] =	dma.local [hbm:s3], $0x4800  }
0x79: {  	_ =	swait.ge [sflag:s14], $0x4800  }
0x7a: {  	s1 =	rddreg [dreg:$0x6];
	[sflag:s14] =	ssyncset.done $0x0  }
0x7b: {  	s3 =	rddreg [dreg:$0x7];
	[sflag:s14] =	ssyncadd.s32 $0xFFFFB800  }
0x7c: {  	[hbm:s1@s15], [sflag:s0] =	dma.strided [hbm:s3@s15], $0x60, s31, $0x10   }
0x7d: {  	_ =	swait.ge [sflag:s14], $0x60  }
0x7e: {  	s1 =	rddreg [dreg:$0x8];
	[sflag:s14] =	ssyncset.done $0x0  }
0x7f: {  	s3 =	rddreg [dreg:$0x9];
	[sflag:s14] =	ssyncadd.s32 $0xFFFFFFA0  }
0x80: {  	[hbm:s1@s15], [sflag:s0] =	dma.strided [hbm:s3@s15], $0x60, s31, $0x10   }
0x81: {  	_ =	swait.ge [sflag:s14], $0x60  }
0x82: {  	s1 =	rddreg [dreg:$0xa];
	[sflag:s14] =	ssyncset.done $0x0  }
0x83: {  	s3 =	rddreg [dreg:$0xb];
	[sflag:s14] =	ssyncadd.s32 $0xFFFFFFA0  }
0x84: {  	[hbm:s1@s15], [sflag:s0] =	dma.strided [hbm:s3@s15], $0x60, s31, $0x10   }
0x85: {  	_ =	swait.ge [sflag:s14], $0x60  }
0x86: {  	s1 =	rddreg [dreg:$0xc];
	[sflag:s14] =	ssyncset.done $0x0  }
0x87: {  	s3 =	rddreg [dreg:$0xd];
	[sflag:s14] =	ssyncadd.s32 $0xFFFFFFA0  }
0x88: {  	[hbm:s1@s15], [sflag:s0] =	dma.strided [hbm:s3@s15], $0x60, s31, $0x10   }
0x89: {  	_ =	swait.ge [sflag:s14], $0x60  }
0x8a: {  	[sflag:s14] =	ssyncset.done $0x0  }
0x8b: {  	s3 =	rddreg [dreg:$0xe];
	[sflag:s14] =	ssyncadd.s32 $0xFFFFFFA0  }
0x8c: {  	[tilespmem:s2], [sflag:$0x2] =	stream.linear.gather [hbm4b:s3+s2], $0x80, $0x38;
	[tilespmem:$0x7880] =	vst v63  }
0x8d: {  	_ =	swait.ge [sflag:s14], $0x80  }
0x8e: {  	[sflag:s14] =	ssyncset.done $0x0  }
0x8f: {  	[sflag:s14] =	ssyncadd.s32 $0xFFFFFF80  }
0x90: {  	v3 =	vld [tilespmem:$0x0];
	_ =	sdelay $0x4  }
0x91: {  	v55 =	vshrl.u32 v3, $0x3  }
0x92: {  	v4 =	vmul.u32 $0x30, v55  }
0x93: {  	v3 =	vand.u32 $0x7, v3  }
0x94: {  	v3 =	vor.u32 v3, v4  }
0x95: {  	v4 =	vperm.xlane v3, v0;
	_ =	sdelay $0x1  }
0x96: {  	v4 =	vadd.s32 v1, v4;
	_ =	sdelay $0x3  }
0x97: {  	v3 =	vperm.xlane v3, v2  }
0x98: {  	[tilespmem:s15], [sflag:$0x1] =	stream.indirect_vreg.gather [hbm4b:s10+s2], $0x80, v4, vm0, $0xb8;
	[tilespmem:$0x7880] =	vst v63  }
0x99: {  	v3 =	vadd.s32 v1, v3  }
0x9a: {  	[tilespmem:s16], [sflag:$0x1] =	stream.indirect_vreg.gather [hbm4b:s11+s2], $0x80, v4, vm0, $0xb8;
	[tilespmem:$0x7880] =	vst v63  }
0x9b: {  	_ = 	snop  }
0x9c: {  	[tilespmem:s17], [sflag:$0x1] =	stream.indirect_vreg.gather [hbm4b:s12+s2], $0x80, v4, vm0, $0xb8;
	[tilespmem:$0x7880] =	vst v63  }
0x9d: {  	_ = 	snop  }
0x9e: {  	[tilespmem:s18], [sflag:$0x1] =	stream.indirect_vreg.gather [hbm4b:s10+s2], $0x80, v3, vm0, $0xb8;
	[tilespmem:$0x7880] =	vst v63  }
0x9f: {  	_ = 	snop  }
0xa0: {  	[tilespmem:s19], [sflag:$0x1] =	stream.indirect_vreg.gather [hbm4b:s11+s2], $0x80, v3, vm0, $0xb8;
	[tilespmem:$0x7880] =	vst v63  }
0xa1: {  	_ = 	snop  }
0xa2: {  	[tilespmem:s20], [sflag:$0x1] =	stream.indirect_vreg.gather [hbm4b:s12+s2], $0x80, v3, vm0, $0xb8;
	[tilespmem:$0x7880] =	vst v63  }
0xa3: {  	v3 =	vld [tilespmem:$0x10];
	_ =	sdelay $0x4  }
0xa4: {  	v56 =	vshrl.u32 v3, $0x3  }
0xa5: {  	v4 =	vmul.u32 $0x30, v56  }
0xa6: {  	v3 =	vand.u32 $0x7, v3  }
0xa7: {  	v3 =	vor.u32 v3, v4  }
0xa8: {  	v4 =	vperm.xlane v3, v0;
	_ =	sdelay $0x1  }
0xa9: {  	v4 =	vadd.s32 v1, v4;
	_ =	sdelay $0x3  }
0xaa: {  	v3 =	vperm.xlane v3, v2  }
0xab: {  	[tilespmem:s21], [sflag:$0x1] =	stream.indirect_vreg.gather [hbm4b:s10+s2], $0x80, v4, vm0, $0xb8;
	[tilespmem:$0x7880] =	vst v63  }
0xac: {  	v3 =	vadd.s32 v1, v3  }
0xad: {  	[tilespmem:s22], [sflag:$0x1] =	stream.indirect_vreg.gather [hbm4b:s11+s2], $0x80, v4, vm0, $0xb8;
	[tilespmem:$0x7880] =	vst v63  }
0xae: {  	_ = 	snop  }
0xaf: {  	[tilespmem:s23], [sflag:$0x1] =	stream.indirect_vreg.gather [hbm4b:s12+s2], $0x80, v4, vm0, $0xb8;
	[tilespmem:$0x7880] =	vst v63  }
0xb0: {  	_ = 	snop  }
0xb1: {  	[tilespmem:s24], [sflag:$0x1] =	stream.indirect_vreg.gather [hbm4b:s10+s2], $0x80, v3, vm0, $0xb8;
	[tilespmem:$0x7880] =	vst v63  }
0xb2: {  	_ = 	snop  }
0xb3: {  	[tilespmem:s25], [sflag:$0x1] =	stream.indirect_vreg.gather [hbm4b:s11+s2], $0x80, v3, vm0, $0xb8;
	[tilespmem:$0x7880] =	vst v63  }
0xb4: {  	_ = 	snop  }
0xb5: {  	[tilespmem:s26], [sflag:$0x1] =	stream.indirect_vreg.gather [hbm4b:s12+s2], $0x80, v3, vm0, $0xb8;
	[tilespmem:$0x7880] =	vst v63  }
0xb6: {  	v3 =	vld.msk [tilespmem:$0x20], $0xff;
	_ =	sdelay $0x4  }
0xb7: {  	v57 =	vshrl.u32 v3, $0x3  }
0xb8: {  	v4 =	vmul.u32 $0x30, v57  }
0xb9: {  	v3 =	vand.u32 $0x7, v3  }
0xba: {  	v3 =	vor.u32 v3, v4  }
0xbb: {  	v3 =	vperm.xlane v3, v0;
	_ =	sdelay $0x1  }
0xbc: {  	v3 =	vadd.s32 v1, v3;
	_ =	sdelay $0x4  }
0xbd: {  	[tilespmem:s28], [sflag:$0x1] =	stream.indirect_vreg.gather [hbm4b:s10+s2], $0x80, v3, vm0, $0xb8;
	[tilespmem:$0x7880] =	vst v63  }
0xbe: {  	_ = 	snop  }
0xbf: {  	[tilespmem:s29], [sflag:$0x1] =	stream.indirect_vreg.gather [hbm4b:s11+s2], $0x80, v3, vm0, $0xb8;
	[tilespmem:$0x7880] =	vst v63  }
0xc0: {  	_ = 	snop  }
0xc1: {  	[tilespmem:s30], [sflag:$0x1] =	stream.indirect_vreg.gather [hbm4b:s12+s2], $0x80, v3, vm0, $0xb8;
	[tilespmem:$0x7880] =	vst v63  }
0xc2: {  	_ =	swait.ge [sflag:s31], $0x7800  }
0xc3: {  	[sflag:s31] =	ssyncset.done $0x0  }
0xc4: {  	[sflag:s31] =	ssyncadd.s32 $0xFFFF8800  }
0xc5: {  	[hbm4b:s4+s2] =	stream.linear.scatter [tilespmem:s15], [sflag:$0x2], $0x7800, $0x38;
	[tilespmem:$0x7880] =	vst v63  }
0xc6: {  	_ =	swait.ge [sflag:s14], $0x7800  }
0xc7: {  	[sflag:s14] =	ssyncset.done $0x0  }
0xc8: {  	s3 =	rddreg [dreg:$0xf];
	[sflag:s14] =	ssyncadd.s32 $0xFFFF8800  }
0xc9: {  	[hbm:s3], [sflag:s0] =	dma.local [hbm:s5], $0x4800  }
0xca: {  	_ =	swait.ge [sflag:s14], $0x4800  }
0xcb: {  	s1 =	rddreg [dreg:$0x10];
	[sflag:s14] =	ssyncset.done $0x0  }
0xcc: {  	s3 =	rddreg [dreg:$0x11];
	[sflag:s14] =	ssyncadd.s32 $0xFFFFB800  }
0xcd: {  	[hbm:s1@s15], [sflag:s0] =	dma.strided [hbm:s3@s15], $0x60, s31, $0x10   }
0xce: {  	_ =	swait.ge [sflag:s14], $0x60  }
0xcf: {  	s1 =	rddreg [dreg:$0x12];
	[sflag:s14] =	ssyncset.done $0x0  }
0xd0: {  	s3 =	rddreg [dreg:$0x13];
	[sflag:s14] =	ssyncadd.s32 $0xFFFFFFA0  }
0xd1: {  	[hbm:s1@s15], [sflag:s0] =	dma.strided [hbm:s3@s15], $0x60, s31, $0x10   }
0xd2: {  	_ =	swait.ge [sflag:s14], $0x60  }
0xd3: {  	s1 =	rddreg [dreg:$0x14];
	[sflag:s14] =	ssyncset.done $0x0  }
0xd4: {  	s3 =	rddreg [dreg:$0x15];
	[sflag:s14] =	ssyncadd.s32 $0xFFFFFFA0  }
0xd5: {  	[hbm:s1@s15], [sflag:s0] =	dma.strided [hbm:s3@s15], $0x60, s31, $0x10   }
0xd6: {  	_ =	swait.ge [sflag:s14], $0x60  }
0xd7: {  	s1 =	rddreg [dreg:$0x16];
	[sflag:s14] =	ssyncset.done $0x0  }
0xd8: {  	s3 =	rddreg [dreg:$0x17];
	[sflag:s14] =	ssyncadd.s32 $0xFFFFFFA0  }
0xd9: {  	[hbm:s1@s15], [sflag:s0] =	dma.strided [hbm:s3@s15], $0x60, s31, $0x10   }
0xda: {  	_ =	swait.ge [sflag:s14], $0x60  }
0xdb: {  	[sflag:s14] =	ssyncset.done $0x0  }
0xdc: {  	s3 =	rddreg [dreg:$0x18];
	[sflag:s14] =	ssyncadd.s32 $0xFFFFFFA0  }
0xdd: {  	[tilespmem:s2], [sflag:$0x2] =	stream.linear.gather [hbm4b:s3+s2], $0x80, $0x38;
	[tilespmem:$0x7880] =	vst v63  }
0xde: {  	_ =	swait.ge [sflag:s14], $0x80  }
0xdf: {  	[sflag:s14] =	ssyncset.done $0x0  }
0xe0: {  	[sflag:s14] =	ssyncadd.s32 $0xFFFFFF80  }
0xe1: {  	v3 =	vld [tilespmem:$0x0];
	_ =	sdelay $0x4  }
0xe2: {  	v58 =	vshrl.u32 v3, $0x3  }
0xe3: {  	v4 =	vmul.u32 $0x30, v58  }
0xe4: {  	v3 =	vand.u32 $0x7, v3  }
0xe5: {  	v3 =	vor.u32 v3, v4  }
0xe6: {  	v4 =	vperm.xlane v3, v0;
	_ =	sdelay $0x1  }
0xe7: {  	v4 =	vadd.s32 v1, v4;
	_ =	sdelay $0x3  }
0xe8: {  	v3 =	vperm.xlane v3, v2  }
0xe9: {  	[tilespmem:s15], [sflag:$0x1] =	stream.indirect_vreg.gather [hbm4b:s10+s2], $0x80, v4, vm0, $0xb8;
	[tilespmem:$0x7880] =	vst v63  }
0xea: {  	v3 =	vadd.s32 v1, v3  }
0xeb: {  	[tilespmem:s16], [sflag:$0x1] =	stream.indirect_vreg.gather [hbm4b:s11+s2], $0x80, v4, vm0, $0xb8;
	[tilespmem:$0x7880] =	vst v63  }
0xec: {  	_ = 	snop  }
0xed: {  	[tilespmem:s17], [sflag:$0x1] =	stream.indirect_vreg.gather [hbm4b:s12+s2], $0x80, v4, vm0, $0xb8;
	[tilespmem:$0x7880] =	vst v63  }
0xee: {  	_ = 	snop  }
0xef: {  	[tilespmem:s18], [sflag:$0x1] =	stream.indirect_vreg.gather [hbm4b:s10+s2], $0x80, v3, vm0, $0xb8;
	[tilespmem:$0x7880] =	vst v63  }
0xf0: {  	_ = 	snop  }
0xf1: {  	[tilespmem:s19], [sflag:$0x1] =	stream.indirect_vreg.gather [hbm4b:s11+s2], $0x80, v3, vm0, $0xb8;
	[tilespmem:$0x7880] =	vst v63  }
0xf2: {  	_ = 	snop  }
0xf3: {  	[tilespmem:s20], [sflag:$0x1] =	stream.indirect_vreg.gather [hbm4b:s12+s2], $0x80, v3, vm0, $0xb8;
	[tilespmem:$0x7880] =	vst v63  }
0xf4: {  	v3 =	vld [tilespmem:$0x10];
	_ =	sdelay $0x4  }
0xf5: {  	v59 =	vshrl.u32 v3, $0x3  }
0xf6: {  	v4 =	vmul.u32 $0x30, v59  }
0xf7: {  	v3 =	vand.u32 $0x7, v3  }
0xf8: {  	v3 =	vor.u32 v3, v4  }
0xf9: {  	v4 =	vperm.xlane v3, v0;
	_ =	sdelay $0x1  }
0xfa: {  	v4 =	vadd.s32 v1, v4;
	_ =	sdelay $0x3  }
0xfb: {  	v3 =	vperm.xlane v3, v2  }
0xfc: {  	[tilespmem:s21], [sflag:$0x1] =	stream.indirect_vreg.gather [hbm4b:s10+s2], $0x80, v4, vm0, $0xb8;
	[tilespmem:$0x7880] =	vst v63  }
0xfd: {  	v3 =	vadd.s32 v1, v3  }
0xfe: {  	[tilespmem:s22], [sflag:$0x1] =	stream.indirect_vreg.gather [hbm4b:s11+s2], $0x80, v4, vm0, $0xb8;
	[tilespmem:$0x7880] =	vst v63  }
0xff: {  	_ = 	snop  }
0x100: {  	[tilespmem:s23], [sflag:$0x1] =	stream.indirect_vreg.gather [hbm4b:s12+s2], $0x80, v4, vm0, $0xb8;
	[tilespmem:$0x7880] =	vst v63  }
0x101: {  	_ = 	snop  }
0x102: {  	[tilespmem:s24], [sflag:$0x1] =	stream.indirect_vreg.gather [hbm4b:s10+s2], $0x80, v3, vm0, $0xb8;
	[tilespmem:$0x7880] =	vst v63  }
0x103: {  	_ = 	snop  }
0x104: {  	[tilespmem:s25], [sflag:$0x1] =	stream.indirect_vreg.gather [hbm4b:s11+s2], $0x80, v3, vm0, $0xb8;
	[tilespmem:$0x7880] =	vst v63  }
0x105: {  	_ = 	snop  }
0x106: {  	[tilespmem:s26], [sflag:$0x1] =	stream.indirect_vreg.gather [hbm4b:s12+s2], $0x80, v3, vm0, $0xb8;
	[tilespmem:$0x7880] =	vst v63  }
0x107: {  	v3 =	vld.msk [tilespmem:$0x20], $0xff;
	_ =	sdelay $0x4  }
0x108: {  	v60 =	vshrl.u32 v3, $0x3  }
0x109: {  	v4 =	vmul.u32 $0x30, v60  }
0x10a: {  	v3 =	vand.u32 $0x7, v3  }
0x10b: {  	v3 =	vor.u32 v3, v4  }
0x10c: {  	v3 =	vperm.xlane v3, v0;
	_ =	sdelay $0x1  }
0x10d: {  	v3 =	vadd.s32 v1, v3;
	_ =	sdelay $0x4  }
0x10e: {  	[tilespmem:s28], [sflag:$0x1] =	stream.indirect_vreg.gather [hbm4b:s10+s2], $0x80, v3, vm0, $0xb8;
	[tilespmem:$0x7880] =	vst v63  }
0x10f: {  	_ = 	snop  }
0x110: {  	[tilespmem:s29], [sflag:$0x1] =	stream.indirect_vreg.gather [hbm4b:s11+s2], $0x80, v3, vm0, $0xb8;
	[tilespmem:$0x7880] =	vst v63  }
0x111: {  	_ = 	snop  }
0x112: {  	[tilespmem:s30], [sflag:$0x1] =	stream.indirect_vreg.gather [hbm4b:s12+s2], $0x80, v3, vm0, $0xb8;
	[tilespmem:$0x7880] =	vst v63  }
0x113: {  	_ =	swait.ge [sflag:s31], $0x7800  }
0x114: {  	[sflag:s31] =	ssyncset.done $0x0  }
0x115: {  	[sflag:s31] =	ssyncadd.s32 $0xFFFF8800  }
0x116: {  	[hbm4b:s6+s2] =	stream.linear.scatter [tilespmem:s15], [sflag:$0x2], $0x7800, $0x38;
	[tilespmem:$0x7880] =	vst v63  }
0x117: {  	_ =	swait.ge [sflag:s14], $0x7800  }
0x118: {  	[sflag:s14] =	ssyncset.done $0x0  }
0x119: {  	s3 =	rddreg [dreg:$0x19];
	[sflag:s14] =	ssyncadd.s32 $0xFFFF8800  }
0x11a: {  	[hbm:s3], [sflag:s0] =	dma.local [hbm:s7], $0x4800  }
0x11b: {  	_ =	swait.ge [sflag:s14], $0x4800  }
0x11c: {  	s1 =	rddreg [dreg:$0x1a];
	[sflag:s14] =	ssyncset.done $0x0  }
0x11d: {  	s3 =	rddreg [dreg:$0x1b];
	[sflag:s14] =	ssyncadd.s32 $0xFFFFB800  }
0x11e: {  	[hbm:s1@s15], [sflag:s0] =	dma.strided [hbm:s3@s15], $0x60, s31, $0x10   }
0x11f: {  	_ =	swait.ge [sflag:s14], $0x60  }
0x120: {  	s1 =	rddreg [dreg:$0x1c];
	[sflag:s14] =	ssyncset.done $0x0  }
0x121: {  	s3 =	rddreg [dreg:$0x1d];
	[sflag:s14] =	ssyncadd.s32 $0xFFFFFFA0  }
0x122: {  	[hbm:s1@s15], [sflag:s0] =	dma.strided [hbm:s3@s15], $0x60, s31, $0x10   }
0x123: {  	_ =	swait.ge [sflag:s14], $0x60  }
0x124: {  	s1 =	rddreg [dreg:$0x1e];
	[sflag:s14] =	ssyncset.done $0x0  }
0x125: {  	s3 =	rddreg [dreg:$0x1f];
	[sflag:s14] =	ssyncadd.s32 $0xFFFFFFA0  }
0x126: {  	[hbm:s1@s15], [sflag:s0] =	dma.strided [hbm:s3@s15], $0x60, s31, $0x10   }
0x127: {  	_ =	swait.ge [sflag:s14], $0x60  }
0x128: {  	s1 =	sld [smem:$0x7F2]  }
0x129: {  	s3 =	sld [smem:$0x7F3]  }
0x12a: {  	[sflag:s14] =	ssyncset.done $0x0  }
0x12b: {  	[sflag:s14] =	ssyncadd.s32 $0xFFFFFFA0  }
0x12c: {  	[hbm:s1@s15], [sflag:s0] =	dma.strided [hbm:s3@s15], $0x60, s31, $0x10   }
0x12d: {  	_ =	swait.ge [sflag:s14], $0x60  }
0x12e: {  	s3 =	sld [smem:$0x7F4]  }
0x12f: {  	[sflag:s14] =	ssyncset.done $0x0  }
0x130: {  	[sflag:s14] =	ssyncadd.s32 $0xFFFFFFA0  }
0x131: {  	[tilespmem:s2], [sflag:$0x2] =	stream.linear.gather [hbm4b:s3+s2], $0x80, $0x38;
	[tilespmem:$0x7880] =	vst v63  }
0x132: {  	_ =	swait.ge [sflag:s14], $0x80  }
0x133: {  	[sflag:s14] =	ssyncset.done $0x0  }
0x134: {  	[sflag:s14] =	ssyncadd.s32 $0xFFFFFF80  }
0x135: {  	v3 =	vld [tilespmem:$0x0];
	_ =	sdelay $0x4  }
0x136: {  	v61 =	vshrl.u32 v3, $0x3  }
0x137: {  	v4 =	vmul.u32 $0x30, v61  }
0x138: {  	v3 =	vand.u32 $0x7, v3  }
0x139: {  	v3 =	vor.u32 v3, v4  }
0x13a: {  	v4 =	vperm.xlane v3, v0;
	_ =	sdelay $0x1  }
0x13b: {  	v4 =	vadd.s32 v1, v4;
	_ =	sdelay $0x3  }
0x13c: {  	v3 =	vperm.xlane v3, v2  }
0x13d: {  	[tilespmem:s15], [sflag:$0x1] =	stream.indirect_vreg.gather [hbm4b:s10+s2], $0x80, v4, vm0, $0xb8;
	[tilespmem:$0x7880] =	vst v63  }
0x13e: {  	v3 =	vadd.s32 v1, v3  }
0x13f: {  	[tilespmem:s16], [sflag:$0x1] =	stream.indirect_vreg.gather [hbm4b:s11+s2], $0x80, v4, vm0, $0xb8;
	[tilespmem:$0x7880] =	vst v63  }
0x140: {  	_ = 	snop  }
0x141: {  	[tilespmem:s17], [sflag:$0x1] =	stream.indirect_vreg.gather [hbm4b:s12+s2], $0x80, v4, vm0, $0xb8;
	[tilespmem:$0x7880] =	vst v63  }
0x142: {  	_ = 	snop  }
0x143: {  	[tilespmem:s18], [sflag:$0x1] =	stream.indirect_vreg.gather [hbm4b:s10+s2], $0x80, v3, vm0, $0xb8;
	[tilespmem:$0x7880] =	vst v63  }
0x144: {  	_ = 	snop  }
0x145: {  	[tilespmem:s19], [sflag:$0x1] =	stream.indirect_vreg.gather [hbm4b:s11+s2], $0x80, v3, vm0, $0xb8;
	[tilespmem:$0x7880] =	vst v63  }
0x146: {  	_ = 	snop  }
0x147: {  	[tilespmem:s20], [sflag:$0x1] =	stream.indirect_vreg.gather [hbm4b:s12+s2], $0x80, v3, vm0, $0xb8;
	[tilespmem:$0x7880] =	vst v63  }
0x148: {  	v3 =	vld [tilespmem:$0x10];
	_ =	sdelay $0x4  }
0x149: {  	v62 =	vshrl.u32 v3, $0x3  }
0x14a: {  	v4 =	vmul.u32 $0x30, v62  }
0x14b: {  	v3 =	vand.u32 $0x7, v3  }
0x14c: {  	v3 =	vor.u32 v3, v4  }
0x14d: {  	v4 =	vperm.xlane v3, v0;
	_ =	sdelay $0x1  }
0x14e: {  	v4 =	vadd.s32 v1, v4;
	_ =	sdelay $0x3  }
0x14f: {  	v3 =	vperm.xlane v3, v2  }
0x150: {  	[tilespmem:s21], [sflag:$0x1] =	stream.indirect_vreg.gather [hbm4b:s10+s2], $0x80, v4, vm0, $0xb8;
	[tilespmem:$0x7880] =	vst v63  }
0x151: {  	v3 =	vadd.s32 v1, v3  }
0x152: {  	[tilespmem:s22], [sflag:$0x1] =	stream.indirect_vreg.gather [hbm4b:s11+s2], $0x80, v4, vm0, $0xb8;
	[tilespmem:$0x7880] =	vst v63  }
0x153: {  	_ = 	snop  }
0x154: {  	[tilespmem:s23], [sflag:$0x1] =	stream.indirect_vreg.gather [hbm4b:s12+s2], $0x80, v4, vm0, $0xb8;
	[tilespmem:$0x7880] =	vst v63  }
0x155: {  	_ = 	snop  }
0x156: {  	[tilespmem:s24], [sflag:$0x1] =	stream.indirect_vreg.gather [hbm4b:s10+s2], $0x80, v3, vm0, $0xb8;
	[tilespmem:$0x7880] =	vst v63  }
0x157: {  	_ = 	snop  }
0x158: {  	[tilespmem:s25], [sflag:$0x1] =	stream.indirect_vreg.gather [hbm4b:s11+s2], $0x80, v3, vm0, $0xb8;
	[tilespmem:$0x7880] =	vst v63  }
0x159: {  	_ = 	snop  }
0x15a: {  	[tilespmem:s26], [sflag:$0x1] =	stream.indirect_vreg.gather [hbm4b:s12+s2], $0x80, v3, vm0, $0xb8;
	[tilespmem:$0x7880] =	vst v63  }
0x15b: {  	v3 =	vld.msk [tilespmem:$0x20], $0xff;
	_ =	sdelay $0x4  }
0x15c: {  	v63 =	vshrl.u32 v3, $0x3  }
0x15d: {  	v4 =	vmul.u32 $0x30, v63  }
0x15e: {  	v3 =	vand.u32 $0x7, v3  }
0x15f: {  	v3 =	vor.u32 v3, v4  }
0x160: {  	v3 =	vperm.xlane v3, v0;
	_ =	sdelay $0x1  }
0x161: {  	v3 =	vadd.s32 v1, v3;
	_ =	sdelay $0x4  }
0x162: {  	[tilespmem:s28], [sflag:$0x1] =	stream.indirect_vreg.gather [hbm4b:s10+s2], $0x80, v3, vm0, $0xb8;
	[tilespmem:$0x7880] =	vst v63  }
0x163: {  	_ = 	snop  }
0x164: {  	[tilespmem:s29], [sflag:$0x1] =	stream.indirect_vreg.gather [hbm4b:s11+s2], $0x80, v3, vm0, $0xb8;
	[tilespmem:$0x7880] =	vst v63  }
0x165: {  	_ = 	snop  }
0x166: {  	[tilespmem:s30], [sflag:$0x1] =	stream.indirect_vreg.gather [hbm4b:s12+s2], $0x80, v3, vm0, $0xb8;
	[tilespmem:$0x7880] =	vst v63  }
0x167: {  	_ =	swait.ge [sflag:s31], $0x7800  }
0x168: {  	[sflag:s31] =	ssyncset.done $0x0  }
0x169: {  	[sflag:s31] =	ssyncadd.s32 $0xFFFF8800  }
0x16a: {  	[hbm4b:s8+s2] =	stream.linear.scatter [tilespmem:s15], [sflag:$0x2], $0x7800, $0x38;
	[tilespmem:$0x7880] =	vst v63  }
0x16b: {  	_ =	swait.ge [sflag:s14], $0x7800  }
0x16c: {  	s3 =	sld [smem:$0x7F5]  }
0x16d: {  	[sflag:s14] =	ssyncset.done $0x0  }
0x16e: {  	[sflag:s14] =	ssyncadd.s32 $0xFFFF8800  }
0x16f: {  	[hbm:s3], [sflag:s0] =	dma.local [hbm:s9], $0x4800  }
0x170: {  	_ =	swait.ge [sflag:s14], $0x4800  }
0x171: {  	s1 =	sld [smem:$0x7F6]  }
0x172: {  	s3 =	sld [smem:$0x7F7]  }
0x173: {  	[sflag:s14] =	ssyncset.done $0x0  }
0x174: {  	[sflag:s14] =	ssyncadd.s32 $0xFFFFB800  }
0x175: {  	[hbm:s1@s15], [sflag:s0] =	dma.strided [hbm:s3@s15], $0x60, s31, $0x10   }
0x176: {  	_ =	swait.ge [sflag:s14], $0x60  }
0x177: {  	s1 =	sld [smem:$0x7F8]  }
0x178: {  	s3 =	sld [smem:$0x7F9]  }
0x179: {  	[sflag:s14] =	ssyncset.done $0x0  }
0x17a: {  	[sflag:s14] =	ssyncadd.s32 $0xFFFFFFA0  }
0x17b: {  	[hbm:s1@s15], [sflag:s0] =	dma.strided [hbm:s3@s15], $0x60, s31, $0x10   }
0x17c: {  	_ =	swait.ge [sflag:s14], $0x60  }
0x17d: {  	s1 =	sld [smem:$0x7FA]  }
0x17e: {  	s3 =	sld [smem:$0x7FB]  }
0x17f: {  	[sflag:s14] =	ssyncset.done $0x0  }
0x180: {  	[sflag:s14] =	ssyncadd.s32 $0xFFFFFFA0  }
0x181: {  	[hbm:s1@s15], [sflag:s0] =	dma.strided [hbm:s3@s15], $0x60, s31, $0x10   }
0x182: {  	_ =	swait.ge [sflag:s14], $0x60  }
0x183: {  	s1 =	sld [smem:$0x7FC]  }
0x184: {  	s3 =	sld [smem:$0x7FD]  }
0x185: {  	p0 =	sne.s32 s13, $0x1;
	[sflag:s14] =	ssyncset.done $0x0  }
.Ltmp0:
0x186: {  	[sflag:s14] =	ssyncadd.s32 $0xFFFFFFA0;
	(pc) =	sbr.rel @p0 .LBB2_1-.Ltmp0, $4  }
0x187: {  	[hbm:s1@s15], [sflag:s0] =	dma.strided [hbm:s3@s15], $0x60, s31, $0x10   }
0x188: {  	_ =	swait.ge [sflag:s14], $0x60  }
0x189: {  	[sflag:s14] =	ssyncset.done $0x0  }
0x18a: {  	s13 =	sadd.s32 $0xFFFFFFFF, s13;
	[sflag:s14] =	ssyncadd.s32 $0xFFFFFFA0  }
0x18b: {  	_ =	sfence.sel $0x180000  }
0x18c: {  	[bflag:$0x0] =	sbarrier.arrive $0xFFFF  }
0x18d: {  	_ =	strace $0x90000047  }
0x18e: {  	s0 =	stileid.u32;
	[bflag:$0x2] =	sbarrier.arrive $0xFFFF  }
0x18f: {  	p0 =	sne.s32 s0, $0x0;
	s0 =	rddreg [dreg:$0x2]  }
0x190: {  	s0 =	sadd.s32 @!p0 $0x100000, s0  }
0x191: {  	[sflag:s0] =	ssyncadd.tile.s32 @!p0 $0x1;
	_ =	shalt  }
.Lfunc_end2:
_tile_overlayer_lowered:
.L_overlay_start_2:
0x192: {  	(tag) =	ssettag $0x2  }
0x193: {  	s0 =	rddreg [dreg:$0x0];
	s2 =	stileid.u32  }
0x194: {  	s1 =	rddreg [dreg:$0x1];
	p0 =	sne.s32 s2, $0x0  }
0x195: {  	s3 =	rddreg [dreg:$0x2];
	[bflag:$0x3] =	sbarrier.arrive $0xFFFF;
	s2 =	simm.s32 @!p0 $0x1C02  }
0x196: {  	[timem:s3], [sflag:s2] =	dma.local @!p0 [hbm:s0], s1  }
0x197: {  	s0 =	simm.s32 @!p0 $0x2  }
0x198: {  	_ =	swait.ge @!p0 [sflag:s0], s1  }
0x199: {  	s1 =	ssub.s32 @!p0 $0x0, s1;
	[sflag:s0] =	ssyncset.done @!p0 $0x0  }
0x19a: {  	[sflag:s0] =	ssyncadd.s32 @!p0 s1  }
0x19b: {  	[bflag:$0x3] =	sbarrier.arrive $0xFFFF  }
0x19c: {  	_ =	shalt  }

</sc_bundles>
